<compile_context>
chip_gen: v7x
topology: tpu7x:2x2x1
jax: 0.10.2.dev20260603
libtpu: 0.0.44.dev20260713+nightly
codegen_flags: <defaults>
</compile_context>

<pallas_src>
import functools

import jax
import jax.numpy as jnp
from jax import lax
from jax.experimental import pallas as pl
from jax.experimental.pallas import tpu as pltpu
from jax.experimental.pallas import tpu_sc as plsc

NC, NS = 2, 16
NW = NC * NS
R = 4
NBUF = 2
DP = 128


def _gather(idx, table):
    n_in, T = idx.shape
    D = 64
    rows_per_w = n_in // NW
    n_chunks = rows_per_w // R
    SPLIT = 128

    mesh = plsc.VectorSubcoreMesh(
        core_axis_name="c", subcore_axis_name="s",
        num_cores=NC, num_subcores=NS)

    @functools.partial(
        pl.kernel,
        out_type=jax.ShapeDtypeStruct((n_in, T, DP), jnp.float32),
        mesh=mesh,
        scratch_types=(
            [pltpu.VMEM((R, T), jnp.int32) for _ in range(NBUF)]
            + [pltpu.VMEM((R, T, D), jnp.float32) for _ in range(NBUF)]
            + [pltpu.SemaphoreType.DMA for _ in range(3 * NBUF)]
        ),
        compiler_params=pltpu.CompilerParams(use_tc_tiling_on_sc=False),
    )
    def k(idx_hbm, table_hbm, out_hbm, *refs):
        idx_v = refs[:NBUF]
        rows = refs[NBUF:2 * NBUF]
        si = refs[2 * NBUF:3 * NBUF]
        sg = refs[3 * NBUF:4 * NBUF]
        so = refs[4 * NBUF:]
        wid = lax.axis_index("s") * NC + lax.axis_index("c")
        row0 = wid * rows_per_w

        def idx_pair(g, b):
            return (idx_hbm.at[pl.ds(row0 + g * R, R)], idx_v[b], si[b])

        def out_pair(g, b):
            return (rows[b],
                    out_hbm.at[pl.ds(row0 + g * R, R), :, pl.ds(0, D)], so[b])

        def fire_idx(g, b):
            pltpu.async_copy(*idx_pair(g, b))

        def wait_idx(g, b):
            pltpu.make_async_copy(*idx_pair(g, b)).wait()

        def fire_gather(b):
            for i in range(R):
                pltpu.async_copy(
                    table_hbm.at[idx_v[b].at[i, pl.ds(0, SPLIT)]],
                    rows[b].at[i, pl.ds(0, SPLIT)],
                    sg[b])
                pltpu.async_copy(
                    table_hbm.at[idx_v[b].at[i, pl.ds(SPLIT, T - SPLIT)]],
                    rows[b].at[i, pl.ds(SPLIT, T - SPLIT)],
                    sg[b])

        def wait_gather(b):
            for i in range(R):
                pltpu.make_async_copy(
                    table_hbm.at[idx_v[b].at[i, pl.ds(0, SPLIT)]],
                    rows[b].at[i, pl.ds(0, SPLIT)],
                    sg[b]).wait()
                pltpu.make_async_copy(
                    table_hbm.at[idx_v[b].at[i, pl.ds(SPLIT, T - SPLIT)]],
                    rows[b].at[i, pl.ds(SPLIT, T - SPLIT)],
                    sg[b]).wait()

        def start_out(g, b):
            pltpu.async_copy(*out_pair(g, b))

        def wait_out(g, b):
            pltpu.make_async_copy(*out_pair(g, b)).wait()

        fire_idx(0, 0)
        wait_idx(0, 0)
        fire_gather(0)
        fire_idx(1, 1)

        def step(g, b):
            nb = 1 - b

            @pl.when(g + 1 < n_chunks)
            def _():
                wait_idx(g + 1, nb)

                @pl.when(g >= 1)
                def _():
                    wait_out(g - 1, nb)

                fire_gather(nb)

            wait_gather(b)
            start_out(g, b)

            @pl.when(g + 2 < n_chunks)
            def _():
                fire_idx(g + 2, b)

        @pl.loop(0, n_chunks, step=NBUF)
        def outer(t):
            for b in range(NBUF):
                step(t + b, b)

        wait_out(n_chunks - 2, (n_chunks - 2) % NBUF)
        wait_out(n_chunks - 1, (n_chunks - 1) % NBUF)

    return k(idx, table)


def kernel(input, weight):
    out = _gather(input.astype(jnp.int32), weight)
    return out[:, :, :weight.shape[1]]

# --- scband reference (transcript-rebuilt; emitter-appended) ---
"""Pipeline reference for scband-sparse-embedding-42193758716214 (READ-ONLY COPY).

The authoritative reference and input builder live on the scoring server;
editing this copy changes nothing except your own understanding.
"""

import jax, jax.numpy as jnp
import numpy as np

NUM_EMBEDDINGS = 1000000
EMBEDDING_DIM = 64
PADDING_IDX = 0

def setup_inputs(seed: int = 0) -> dict:
    key = jax.random.key(seed)
    k_idx, k_w = jax.random.split(key)
    input = jax.random.randint(k_idx, (4096, 200), 0, NUM_EMBEDDINGS, dtype=jnp.int64 if jax.config.jax_enable_x64 else jnp.int32)
    weight = jax.random.normal(k_w, (NUM_EMBEDDINGS, EMBEDDING_DIM), dtype=jnp.float32)
    # torch nn.Embedding zeroes the padding_idx row at init
    weight = weight.at[PADDING_IDX].set(0.0)
    return {"input": input, "weight": weight}

def reference(input, weight):
    # Embedding lookup: gather rows of the table
    return jnp.take(weight, input, axis=0)

if __name__ == "__main__":
    import jax
    _d = setup_inputs()
    print(jax.jit(kernel)(*tuple(_d.values())))

</pallas_src>

<mosaic_0001>
#map = affine_map<(d0, d1) -> (0, 0)>
#map1 = affine_map<(d0, d1) -> (0, 0, 0)>
module attributes {stable_mosaic.version = 14 : i64} {
  func.func @k(%arg0: i32, %arg1: i32, %arg2: memref<4096x200xi32, #tpu.memory_space<hbm>>, %arg3: memref<1000000x64xf32, #tpu.memory_space<hbm>>, %arg4: memref<4096x200x128xf32, #tpu.memory_space<hbm>>, %arg5: memref<4x200xi32, #tpu.memory_space<vmem>>, %arg6: memref<4x200xi32, #tpu.memory_space<vmem>>, %arg7: memref<4x200x64xf32, #tpu.memory_space<vmem>>, %arg8: memref<4x200x64xf32, #tpu.memory_space<vmem>>, %arg9: memref<!tpu.dma_semaphore, #tpu.memory_space<semaphore_mem>>, %arg10: memref<!tpu.dma_semaphore, #tpu.memory_space<semaphore_mem>>, %arg11: memref<!tpu.dma_semaphore, #tpu.memory_space<semaphore_mem>>, %arg12: memref<!tpu.dma_semaphore, #tpu.memory_space<semaphore_mem>>, %arg13: memref<!tpu.dma_semaphore, #tpu.memory_space<semaphore_mem>>, %arg14: memref<!tpu.dma_semaphore, #tpu.memory_space<semaphore_mem>>) attributes {dimension_semantics = [#tpu.dimension_semantics<core_parallel>, #tpu.dimension_semantics<subcore_parallel>], iteration_bounds = array<i64: 2, 16>, scalar_prefetch = 0 : i64, scratch_operands = 10 : i64, tpu.core_type = #tpu.core_type<sc_vector_subcore>, window_params = [{transform_indices = #map}, {transform_indices = #map}, {transform_indices = #map1}]} {
    %mul3A = arith.constant 2 : i32
    %mul3A_0 = arith.muli %arg1, %mul3A : i32
    %add3A = arith.addi %mul3A_0, %arg0 : i32
    %mul3A_1 = arith.constant 128 : i32
    %mul3A_2 = arith.muli %add3A, %mul3A_1 : i32
    %add3A_3 = arith.constant 0 : i32
    %add3A_4 = arith.addi %mul3A_2, %add3A_3 : i32
    %dma_start3A = arith.constant 0 : i32
    %dma_start3A_5 = tpu.memref_slice %arg2[%add3A_4, %dma_start3A] : memref<4096x200xi32, #tpu.memory_space<hbm>> -> memref<4x200xi32, #tpu.memory_space<hbm>>
    %dma_start3A_6 = arith.constant 0 : i32
    %dma_start3A_7 = tpu.memref_slice %arg2[%add3A_4, %dma_start3A_6] : memref<4096x200xi32, #tpu.memory_space<hbm>> -> memref<4x200xi32, #tpu.memory_space<hbm>>
    tpu.enqueue_dma source(%dma_start3A_7 : memref<4x200xi32, #tpu.memory_space<hbm>>) target(%arg5 : memref<4x200xi32, #tpu.memory_space<vmem>>) target_semaphore(%arg9 : memref<!tpu.dma_semaphore, #tpu.memory_space<semaphore_mem>>)
    %add3A_8 = arith.constant 0 : i32
    %add3A_9 = arith.addi %mul3A_2, %add3A_8 : i32
    %dma_wait3A = arith.constant 0 : i32
    %dma_wait3A_10 = tpu.memref_slice %arg2[%add3A_9, %dma_wait3A] : memref<4096x200xi32, #tpu.memory_space<hbm>> -> memref<4x200xi32, #tpu.memory_space<hbm>>
    %dma_wait3A_11 = arith.constant 0 : i32
    %dma_wait3A_12 = tpu.memref_slice %arg2[%add3A_9, %dma_wait3A_11] : memref<4096x200xi32, #tpu.memory_space<hbm>> -> memref<4x200xi32, #tpu.memory_space<hbm>>
    tpu.wait_dma2 semaphore(%arg9 : memref<!tpu.dma_semaphore, #tpu.memory_space<semaphore_mem>>) src(%dma_wait3A_12 : memref<4x200xi32, #tpu.memory_space<hbm>>) dst(%arg5 : memref<4x200xi32, #tpu.memory_space<vmem>>)
    %dma_start3A_13 = arith.constant 0 : i32
    %dma_start3A_14 = arith.constant 0 : i32
    %dma_start3A_15 = arith.constant 0 : i32
    %dma_start3A_16 = arith.constant 0 : i32
    %dma_start3A_17 = tpu.memref_slice %arg7[%dma_start3A_14, %dma_start3A_15, %dma_start3A_16] : memref<4x200x64xf32, #tpu.memory_space<vmem>> -> memref<1x128x64xf32, #tpu.memory_space<vmem>>
    %dma_start3A_18 = tpu.memref_squeeze %dma_start3A_17 : memref<1x128x64xf32, #tpu.memory_space<vmem>> -> memref<128x64xf32, #tpu.memory_space<vmem>>
    %dma_start3A_19 = arith.constant 0 : i32
    %dma_start3A_20 = tpu.memref_slice %arg5[%dma_start3A_13, %dma_start3A_19] : memref<4x200xi32, #tpu.memory_space<vmem>> -> memref<1x128xi32, #tpu.memory_space<vmem>>
    %dma_start3A_21 = tpu.memref_squeeze %dma_start3A_20 : memref<1x128xi32, #tpu.memory_space<vmem>> -> memref<128xi32, #tpu.memory_space<vmem>>
    %dma_start3A_22 = arith.constant 0 : i32
    %dma_start3A_23 = arith.constant 0 : i32
    %dma_start3A_24 = tpu.memref_slice %arg3[%dma_start3A_22, %dma_start3A_23] : memref<1000000x64xf32, #tpu.memory_space<hbm>> -> memref<1000000x64xf32, #tpu.memory_space<hbm>>
    tpu.enqueue_indirect_dma source(%dma_start3A_24 : memref<1000000x64xf32, #tpu.memory_space<hbm>>) target(%dma_start3A_18 : memref<128x64xf32, #tpu.memory_space<vmem>>) offsets(%dma_start3A_21 : memref<128xi32, #tpu.memory_space<vmem>>) semaphore(%arg11 : memref<!tpu.dma_semaphore, #tpu.memory_space<semaphore_mem>>)
    %dma_start3A_25 = arith.constant 0 : i32
    %dma_start3A_26 = arith.constant 0 : i32
    %dma_start3A_27 = arith.constant 128 : i32
    %dma_start3A_28 = arith.constant 0 : i32
    %dma_start3A_29 = tpu.memref_slice %arg7[%dma_start3A_26, %dma_start3A_27, %dma_start3A_28] : memref<4x200x64xf32, #tpu.memory_space<vmem>> -> memref<1x72x64xf32, #tpu.memory_space<vmem>>
    %dma_start3A_30 = tpu.memref_squeeze %dma_start3A_29 : memref<1x72x64xf32, #tpu.memory_space<vmem>> -> memref<72x64xf32, #tpu.memory_space<vmem>>
    %dma_start3A_31 = arith.constant 128 : i32
    %dma_start3A_32 = tpu.memref_slice %arg5[%dma_start3A_25, %dma_start3A_31] : memref<4x200xi32, #tpu.memory_space<vmem>> -> memref<1x72xi32, #tpu.memory_space<vmem>>
    %dma_start3A_33 = tpu.memref_squeeze %dma_start3A_32 : memref<1x72xi32, #tpu.memory_space<vmem>> -> memref<72xi32, #tpu.memory_space<vmem>>
    %dma_start3A_34 = arith.constant 0 : i32
    %dma_start3A_35 = arith.constant 0 : i32
    %dma_start3A_36 = tpu.memref_slice %arg3[%dma_start3A_34, %dma_start3A_35] : memref<1000000x64xf32, #tpu.memory_space<hbm>> -> memref<1000000x64xf32, #tpu.memory_space<hbm>>
    tpu.enqueue_indirect_dma source(%dma_start3A_36 : memref<1000000x64xf32, #tpu.memory_space<hbm>>) target(%dma_start3A_30 : memref<72x64xf32, #tpu.memory_space<vmem>>) offsets(%dma_start3A_33 : memref<72xi32, #tpu.memory_space<vmem>>) semaphore(%arg11 : memref<!tpu.dma_semaphore, #tpu.memory_space<semaphore_mem>>)
    %dma_start3A_37 = arith.constant 1 : i32
    %dma_start3A_38 = arith.constant 1 : i32
    %dma_start3A_39 = arith.constant 0 : i32
    %dma_start3A_40 = arith.constant 0 : i32
    %dma_start3A_41 = tpu.memref_slice %arg7[%dma_start3A_38, %dma_start3A_39, %dma_start3A_40] : memref<4x200x64xf32, #tpu.memory_space<vmem>> -> memref<1x128x64xf32, #tpu.memory_space<vmem>>
    %dma_start3A_42 = tpu.memref_squeeze %dma_start3A_41 : memref<1x128x64xf32, #tpu.memory_space<vmem>> -> memref<128x64xf32, #tpu.memory_space<vmem>>
    %dma_start3A_43 = arith.constant 0 : i32
    %dma_start3A_44 = tpu.memref_slice %arg5[%dma_start3A_37, %dma_start3A_43] : memref<4x200xi32, #tpu.memory_space<vmem>> -> memref<1x128xi32, #tpu.memory_space<vmem>>
    %dma_start3A_45 = tpu.memref_squeeze %dma_start3A_44 : memref<1x128xi32, #tpu.memory_space<vmem>> -> memref<128xi32, #tpu.memory_space<vmem>>
    %dma_start3A_46 = arith.constant 0 : i32
    %dma_start3A_47 = arith.constant 0 : i32
    %dma_start3A_48 = tpu.memref_slice %arg3[%dma_start3A_46, %dma_start3A_47] : memref<1000000x64xf32, #tpu.memory_space<hbm>> -> memref<1000000x64xf32, #tpu.memory_space<hbm>>
    tpu.enqueue_indirect_dma source(%dma_start3A_48 : memref<1000000x64xf32, #tpu.memory_space<hbm>>) target(%dma_start3A_42 : memref<128x64xf32, #tpu.memory_space<vmem>>) offsets(%dma_start3A_45 : memref<128xi32, #tpu.memory_space<vmem>>) semaphore(%arg11 : memref<!tpu.dma_semaphore, #tpu.memory_space<semaphore_mem>>)
    %dma_start3A_49 = arith.constant 1 : i32
    %dma_start3A_50 = arith.constant 1 : i32
    %dma_start3A_51 = arith.constant 128 : i32
    %dma_start3A_52 = arith.constant 0 : i32
    %dma_start3A_53 = tpu.memref_slice %arg7[%dma_start3A_50, %dma_start3A_51, %dma_start3A_52] : memref<4x200x64xf32, #tpu.memory_space<vmem>> -> memref<1x72x64xf32, #tpu.memory_space<vmem>>
    %dma_start3A_54 = tpu.memref_squeeze %dma_start3A_53 : memref<1x72x64xf32, #tpu.memory_space<vmem>> -> memref<72x64xf32, #tpu.memory_space<vmem>>
    %dma_start3A_55 = arith.constant 128 : i32
    %dma_start3A_56 = tpu.memref_slice %arg5[%dma_start3A_49, %dma_start3A_55] : memref<4x200xi32, #tpu.memory_space<vmem>> -> memref<1x72xi32, #tpu.memory_space<vmem>>
    %dma_start3A_57 = tpu.memref_squeeze %dma_start3A_56 : memref<1x72xi32, #tpu.memory_space<vmem>> -> memref<72xi32, #tpu.memory_space<vmem>>
    %dma_start3A_58 = arith.constant 0 : i32
    %dma_start3A_59 = arith.constant 0 : i32
    %dma_start3A_60 = tpu.memref_slice %arg3[%dma_start3A_58, %dma_start3A_59] : memref<1000000x64xf32, #tpu.memory_space<hbm>> -> memref<1000000x64xf32, #tpu.memory_space<hbm>>
    tpu.enqueue_indirect_dma source(%dma_start3A_60 : memref<1000000x64xf32, #tpu.memory_space<hbm>>) target(%dma_start3A_54 : memref<72x64xf32, #tpu.memory_space<vmem>>) offsets(%dma_start3A_57 : memref<72xi32, #tpu.memory_space<vmem>>) semaphore(%arg11 : memref<!tpu.dma_semaphore, #tpu.memory_space<semaphore_mem>>)
    %dma_start3A_61 = arith.constant 2 : i32
    %dma_start3A_62 = arith.constant 2 : i32
    %dma_start3A_63 = arith.constant 0 : i32
    %dma_start3A_64 = arith.constant 0 : i32
    %dma_start3A_65 = tpu.memref_slice %arg7[%dma_start3A_62, %dma_start3A_63, %dma_start3A_64] : memref<4x200x64xf32, #tpu.memory_space<vmem>> -> memref<1x128x64xf32, #tpu.memory_space<vmem>>
    %dma_start3A_66 = tpu.memref_squeeze %dma_start3A_65 : memref<1x128x64xf32, #tpu.memory_space<vmem>> -> memref<128x64xf32, #tpu.memory_space<vmem>>
    %dma_start3A_67 = arith.constant 0 : i32
    %dma_start3A_68 = tpu.memref_slice %arg5[%dma_start3A_61, %dma_start3A_67] : memref<4x200xi32, #tpu.memory_space<vmem>> -> memref<1x128xi32, #tpu.memory_space<vmem>>
    %dma_start3A_69 = tpu.memref_squeeze %dma_start3A_68 : memref<1x128xi32, #tpu.memory_space<vmem>> -> memref<128xi32, #tpu.memory_space<vmem>>
    %dma_start3A_70 = arith.constant 0 : i32
    %dma_start3A_71 = arith.constant 0 : i32
    %dma_start3A_72 = tpu.memref_slice %arg3[%dma_start3A_70, %dma_start3A_71] : memref<1000000x64xf32, #tpu.memory_space<hbm>> -> memref<1000000x64xf32, #tpu.memory_space<hbm>>
    tpu.enqueue_indirect_dma source(%dma_start3A_72 : memref<1000000x64xf32, #tpu.memory_space<hbm>>) target(%dma_start3A_66 : memref<128x64xf32, #tpu.memory_space<vmem>>) offsets(%dma_start3A_69 : memref<128xi32, #tpu.memory_space<vmem>>) semaphore(%arg11 : memref<!tpu.dma_semaphore, #tpu.memory_space<semaphore_mem>>)
    %dma_start3A_73 = arith.constant 2 : i32
    %dma_start3A_74 = arith.constant 2 : i32
    %dma_start3A_75 = arith.constant 128 : i32
    %dma_start3A_76 = arith.constant 0 : i32
    %dma_start3A_77 = tpu.memref_slice %arg7[%dma_start3A_74, %dma_start3A_75, %dma_start3A_76] : memref<4x200x64xf32, #tpu.memory_space<vmem>> -> memref<1x72x64xf32, #tpu.memory_space<vmem>>
    %dma_start3A_78 = tpu.memref_squeeze %dma_start3A_77 : memref<1x72x64xf32, #tpu.memory_space<vmem>> -> memref<72x64xf32, #tpu.memory_space<vmem>>
    %dma_start3A_79 = arith.constant 128 : i32
    %dma_start3A_80 = tpu.memref_slice %arg5[%dma_start3A_73, %dma_start3A_79] : memref<4x200xi32, #tpu.memory_space<vmem>> -> memref<1x72xi32, #tpu.memory_space<vmem>>
    %dma_start3A_81 = tpu.memref_squeeze %dma_start3A_80 : memref<1x72xi32, #tpu.memory_space<vmem>> -> memref<72xi32, #tpu.memory_space<vmem>>
    %dma_start3A_82 = arith.constant 0 : i32
    %dma_start3A_83 = arith.constant 0 : i32
    %dma_start3A_84 = tpu.memref_slice %arg3[%dma_start3A_82, %dma_start3A_83] : memref<1000000x64xf32, #tpu.memory_space<hbm>> -> memref<1000000x64xf32, #tpu.memory_space<hbm>>
    tpu.enqueue_indirect_dma source(%dma_start3A_84 : memref<1000000x64xf32, #tpu.memory_space<hbm>>) target(%dma_start3A_78 : memref<72x64xf32, #tpu.memory_space<vmem>>) offsets(%dma_start3A_81 : memref<72xi32, #tpu.memory_space<vmem>>) semaphore(%arg11 : memref<!tpu.dma_semaphore, #tpu.memory_space<semaphore_mem>>)
    %dma_start3A_85 = arith.constant 3 : i32
    %dma_start3A_86 = arith.constant 3 : i32
    %dma_start3A_87 = arith.constant 0 : i32
    %dma_start3A_88 = arith.constant 0 : i32
    %dma_start3A_89 = tpu.memref_slice %arg7[%dma_start3A_86, %dma_start3A_87, %dma_start3A_88] : memref<4x200x64xf32, #tpu.memory_space<vmem>> -> memref<1x128x64xf32, #tpu.memory_space<vmem>>
    %dma_start3A_90 = tpu.memref_squeeze %dma_start3A_89 : memref<1x128x64xf32, #tpu.memory_space<vmem>> -> memref<128x64xf32, #tpu.memory_space<vmem>>
    %dma_start3A_91 = arith.constant 0 : i32
    %dma_start3A_92 = tpu.memref_slice %arg5[%dma_start3A_85, %dma_start3A_91] : memref<4x200xi32, #tpu.memory_space<vmem>> -> memref<1x128xi32, #tpu.memory_space<vmem>>
    %dma_start3A_93 = tpu.memref_squeeze %dma_start3A_92 : memref<1x128xi32, #tpu.memory_space<vmem>> -> memref<128xi32, #tpu.memory_space<vmem>>
    %dma_start3A_94 = arith.constant 0 : i32
    %dma_start3A_95 = arith.constant 0 : i32
    %dma_start3A_96 = tpu.memref_slice %arg3[%dma_start3A_94, %dma_start3A_95] : memref<1000000x64xf32, #tpu.memory_space<hbm>> -> memref<1000000x64xf32, #tpu.memory_space<hbm>>
    tpu.enqueue_indirect_dma source(%dma_start3A_96 : memref<1000000x64xf32, #tpu.memory_space<hbm>>) target(%dma_start3A_90 : memref<128x64xf32, #tpu.memory_space<vmem>>) offsets(%dma_start3A_93 : memref<128xi32, #tpu.memory_space<vmem>>) semaphore(%arg11 : memref<!tpu.dma_semaphore, #tpu.memory_space<semaphore_mem>>)
    %dma_start3A_97 = arith.constant 3 : i32
    %dma_start3A_98 = arith.constant 3 : i32
    %dma_start3A_99 = arith.constant 128 : i32
    %dma_start3A_100 = arith.constant 0 : i32
    %dma_start3A_101 = tpu.memref_slice %arg7[%dma_start3A_98, %dma_start3A_99, %dma_start3A_100] : memref<4x200x64xf32, #tpu.memory_space<vmem>> -> memref<1x72x64xf32, #tpu.memory_space<vmem>>
    %dma_start3A_102 = tpu.memref_squeeze %dma_start3A_101 : memref<1x72x64xf32, #tpu.memory_space<vmem>> -> memref<72x64xf32, #tpu.memory_space<vmem>>
    %dma_start3A_103 = arith.constant 128 : i32
    %dma_start3A_104 = tpu.memref_slice %arg5[%dma_start3A_97, %dma_start3A_103] : memref<4x200xi32, #tpu.memory_space<vmem>> -> memref<1x72xi32, #tpu.memory_space<vmem>>
    %dma_start3A_105 = tpu.memref_squeeze %dma_start3A_104 : memref<1x72xi32, #tpu.memory_space<vmem>> -> memref<72xi32, #tpu.memory_space<vmem>>
    %dma_start3A_106 = arith.constant 0 : i32
    %dma_start3A_107 = arith.constant 0 : i32
    %dma_start3A_108 = tpu.memref_slice %arg3[%dma_start3A_106, %dma_start3A_107] : memref<1000000x64xf32, #tpu.memory_space<hbm>> -> memref<1000000x64xf32, #tpu.memory_space<hbm>>
    tpu.enqueue_indirect_dma source(%dma_start3A_108 : memref<1000000x64xf32, #tpu.memory_space<hbm>>) target(%dma_start3A_102 : memref<72x64xf32, #tpu.memory_space<vmem>>) offsets(%dma_start3A_105 : memref<72xi32, #tpu.memory_space<vmem>>) semaphore(%arg11 : memref<!tpu.dma_semaphore, #tpu.memory_space<semaphore_mem>>)
    %add3A_109 = arith.constant 4 : i32
    %add3A_110 = arith.addi %mul3A_2, %add3A_109 : i32
    %dma_start3A_111 = arith.constant 0 : i32
    %dma_start3A_112 = tpu.memref_slice %arg2[%add3A_110, %dma_start3A_111] : memref<4096x200xi32, #tpu.memory_space<hbm>> -> memref<4x200xi32, #tpu.memory_space<hbm>>
    %dma_start3A_113 = arith.constant 0 : i32
    %dma_start3A_114 = tpu.memref_slice %arg2[%add3A_110, %dma_start3A_113] : memref<4096x200xi32, #tpu.memory_space<hbm>> -> memref<4x200xi32, #tpu.memory_space<hbm>>
    tpu.enqueue_dma source(%dma_start3A_114 : memref<4x200xi32, #tpu.memory_space<hbm>>) target(%arg6 : memref<4x200xi32, #tpu.memory_space<vmem>>) target_semaphore(%arg10 : memref<!tpu.dma_semaphore, #tpu.memory_space<semaphore_mem>>)
    %scan3A = arith.constant 0 : i32
    %scan3A_115 = arith.constant 16 : i32
    %scan3A_116 = arith.addi %scan3A, %scan3A_115 : i32
    %scan3A_117 = arith.constant 1 : i32
    scf.for %scan3A_135 = %scan3A to %scan3A_116 step %scan3A_117  : i32 {
      %mul3A_136 = arith.constant 2 : i32
      %mul3A_137 = arith.muli %scan3A_135, %mul3A_136 : i32
      %add3A_138 = arith.constant 0 : i32
      %add3A_139 = arith.addi %add3A_138, %mul3A_137 : i32
      %add3A_140 = arith.constant 0 : i32
      %add3A_141 = arith.addi %add3A_139, %add3A_140 : i32
      %add3A_142 = arith.constant 1 : i32
      %add3A_143 = arith.addi %add3A_141, %add3A_142 : i32
      %lt3A = arith.constant 32 : i32
      %lt3A_144 = arith.cmpi slt, %add3A_143, %lt3A : i32
      %convert_element_type3A = arith.extui %lt3A_144 : i1 to i32
      %cond3A = arith.constant 0 : i32
      %cond3A_145 = arith.cmpi ne, %convert_element_type3A, %cond3A : i32
      scf.if %cond3A_145 {
        %add3A_379 = arith.constant 1 : i32
        %add3A_380 = arith.addi %add3A_141, %add3A_379 : i32
        %mul3A_381 = arith.constant 4 : i32
        %mul3A_382 = arith.muli %add3A_380, %mul3A_381 : i32
        %add3A_383 = arith.addi %mul3A_2, %mul3A_382 : i32
        %dma_wait3A_384 = arith.constant 0 : i32
        %dma_wait3A_385 = tpu.memref_slice %arg2[%add3A_383, %dma_wait3A_384] : memref<4096x200xi32, #tpu.memory_space<hbm>> -> memref<4x200xi32, #tpu.memory_space<hbm>>
        %dma_wait3A_386 = arith.constant 0 : i32
        %dma_wait3A_387 = tpu.memref_slice %arg2[%add3A_383, %dma_wait3A_386] : memref<4096x200xi32, #tpu.memory_space<hbm>> -> memref<4x200xi32, #tpu.memory_space<hbm>>
        tpu.wait_dma2 semaphore(%arg10 : memref<!tpu.dma_semaphore, #tpu.memory_space<semaphore_mem>>) src(%dma_wait3A_387 : memref<4x200xi32, #tpu.memory_space<hbm>>) dst(%arg6 : memref<4x200xi32, #tpu.memory_space<vmem>>)
        %ge3A = arith.constant 1 : i32
        %ge3A_388 = arith.cmpi sge, %add3A_141, %ge3A : i32
        %convert_element_type3A_389 = arith.extui %ge3A_388 : i1 to i32
        %cond3A_390 = arith.constant 0 : i32
        %cond3A_391 = arith.cmpi ne, %convert_element_type3A_389, %cond3A_390 : i32
        scf.if %cond3A_391 {
          %sub3A = arith.constant 1 : i32
          %sub3A_488 = arith.subi %add3A_141, %sub3A : i32
          %mul3A_489 = arith.constant 4 : i32
          %mul3A_490 = arith.muli %sub3A_488, %mul3A_489 : i32
          %add3A_491 = arith.addi %mul3A_2, %mul3A_490 : i32
          %dma_wait3A_492 = arith.constant 0 : i32
          %dma_wait3A_493 = arith.constant 0 : i32
          %dma_wait3A_494 = tpu.memref_slice %arg4[%add3A_491, %dma_wait3A_492, %dma_wait3A_493] : memref<4096x200x128xf32, #tpu.memory_space<hbm>> -> memref<4x200x64xf32, #tpu.memory_space<hbm>>
          %dma_wait3A_495 = arith.constant 0 : i32
          %dma_wait3A_496 = arith.constant 0 : i32
          %dma_wait3A_497 = tpu.memref_slice %arg4[%add3A_491, %dma_wait3A_495, %dma_wait3A_496] : memref<4096x200x128xf32, #tpu.memory_space<hbm>> -> memref<4x200x64xf32, #tpu.memory_space<hbm>>
          tpu.wait_dma2 semaphore(%arg14 : memref<!tpu.dma_semaphore, #tpu.memory_space<semaphore_mem>>) src(%arg8 : memref<4x200x64xf32, #tpu.memory_space<vmem>>) dst(%dma_wait3A_497 : memref<4x200x64xf32, #tpu.memory_space<hbm>>)
        } else {
        }
        %dma_start3A_392 = arith.constant 0 : i32
        %dma_start3A_393 = arith.constant 0 : i32
        %dma_start3A_394 = arith.constant 0 : i32
        %dma_start3A_395 = arith.constant 0 : i32
        %dma_start3A_396 = tpu.memref_slice %arg8[%dma_start3A_393, %dma_start3A_394, %dma_start3A_395] : memref<4x200x64xf32, #tpu.memory_space<vmem>> -> memref<1x128x64xf32, #tpu.memory_space<vmem>>
        %dma_start3A_397 = tpu.memref_squeeze %dma_start3A_396 : memref<1x128x64xf32, #tpu.memory_space<vmem>> -> memref<128x64xf32, #tpu.memory_space<vmem>>
        %dma_start3A_398 = arith.constant 0 : i32
        %dma_start3A_399 = tpu.memref_slice %arg6[%dma_start3A_392, %dma_start3A_398] : memref<4x200xi32, #tpu.memory_space<vmem>> -> memref<1x128xi32, #tpu.memory_space<vmem>>
        %dma_start3A_400 = tpu.memref_squeeze %dma_start3A_399 : memref<1x128xi32, #tpu.memory_space<vmem>> -> memref<128xi32, #tpu.memory_space<vmem>>
        %dma_start3A_401 = arith.constant 0 : i32
        %dma_start3A_402 = arith.constant 0 : i32
        %dma_start3A_403 = tpu.memref_slice %arg3[%dma_start3A_401, %dma_start3A_402] : memref<1000000x64xf32, #tpu.memory_space<hbm>> -> memref<1000000x64xf32, #tpu.memory_space<hbm>>
        tpu.enqueue_indirect_dma source(%dma_start3A_403 : memref<1000000x64xf32, #tpu.memory_space<hbm>>) target(%dma_start3A_397 : memref<128x64xf32, #tpu.memory_space<vmem>>) offsets(%dma_start3A_400 : memref<128xi32, #tpu.memory_space<vmem>>) semaphore(%arg12 : memref<!tpu.dma_semaphore, #tpu.memory_space<semaphore_mem>>)
        %dma_start3A_404 = arith.constant 0 : i32
        %dma_start3A_405 = arith.constant 0 : i32
        %dma_start3A_406 = arith.constant 128 : i32
        %dma_start3A_407 = arith.constant 0 : i32
        %dma_start3A_408 = tpu.memref_slice %arg8[%dma_start3A_405, %dma_start3A_406, %dma_start3A_407] : memref<4x200x64xf32, #tpu.memory_space<vmem>> -> memref<1x72x64xf32, #tpu.memory_space<vmem>>
        %dma_start3A_409 = tpu.memref_squeeze %dma_start3A_408 : memref<1x72x64xf32, #tpu.memory_space<vmem>> -> memref<72x64xf32, #tpu.memory_space<vmem>>
        %dma_start3A_410 = arith.constant 128 : i32
        %dma_start3A_411 = tpu.memref_slice %arg6[%dma_start3A_404, %dma_start3A_410] : memref<4x200xi32, #tpu.memory_space<vmem>> -> memref<1x72xi32, #tpu.memory_space<vmem>>
        %dma_start3A_412 = tpu.memref_squeeze %dma_start3A_411 : memref<1x72xi32, #tpu.memory_space<vmem>> -> memref<72xi32, #tpu.memory_space<vmem>>
        %dma_start3A_413 = arith.constant 0 : i32
        %dma_start3A_414 = arith.constant 0 : i32
        %dma_start3A_415 = tpu.memref_slice %arg3[%dma_start3A_413, %dma_start3A_414] : memref<1000000x64xf32, #tpu.memory_space<hbm>> -> memref<1000000x64xf32, #tpu.memory_space<hbm>>
        tpu.enqueue_indirect_dma source(%dma_start3A_415 : memref<1000000x64xf32, #tpu.memory_space<hbm>>) target(%dma_start3A_409 : memref<72x64xf32, #tpu.memory_space<vmem>>) offsets(%dma_start3A_412 : memref<72xi32, #tpu.memory_space<vmem>>) semaphore(%arg12 : memref<!tpu.dma_semaphore, #tpu.memory_space<semaphore_mem>>)
        %dma_start3A_416 = arith.constant 1 : i32
        %dma_start3A_417 = arith.constant 1 : i32
        %dma_start3A_418 = arith.constant 0 : i32
        %dma_start3A_419 = arith.constant 0 : i32
        %dma_start3A_420 = tpu.memref_slice %arg8[%dma_start3A_417, %dma_start3A_418, %dma_start3A_419] : memref<4x200x64xf32, #tpu.memory_space<vmem>> -> memref<1x128x64xf32, #tpu.memory_space<vmem>>
        %dma_start3A_421 = tpu.memref_squeeze %dma_start3A_420 : memref<1x128x64xf32, #tpu.memory_space<vmem>> -> memref<128x64xf32, #tpu.memory_space<vmem>>
        %dma_start3A_422 = arith.constant 0 : i32
        %dma_start3A_423 = tpu.memref_slice %arg6[%dma_start3A_416, %dma_start3A_422] : memref<4x200xi32, #tpu.memory_space<vmem>> -> memref<1x128xi32, #tpu.memory_space<vmem>>
        %dma_start3A_424 = tpu.memref_squeeze %dma_start3A_423 : memref<1x128xi32, #tpu.memory_space<vmem>> -> memref<128xi32, #tpu.memory_space<vmem>>
        %dma_start3A_425 = arith.constant 0 : i32
        %dma_start3A_426 = arith.constant 0 : i32
        %dma_start3A_427 = tpu.memref_slice %arg3[%dma_start3A_425, %dma_start3A_426] : memref<1000000x64xf32, #tpu.memory_space<hbm>> -> memref<1000000x64xf32, #tpu.memory_space<hbm>>
        tpu.enqueue_indirect_dma source(%dma_start3A_427 : memref<1000000x64xf32, #tpu.memory_space<hbm>>) target(%dma_start3A_421 : memref<128x64xf32, #tpu.memory_space<vmem>>) offsets(%dma_start3A_424 : memref<128xi32, #tpu.memory_space<vmem>>) semaphore(%arg12 : memref<!tpu.dma_semaphore, #tpu.memory_space<semaphore_mem>>)
        %dma_start3A_428 = arith.constant 1 : i32
        %dma_start3A_429 = arith.constant 1 : i32
        %dma_start3A_430 = arith.constant 128 : i32
        %dma_start3A_431 = arith.constant 0 : i32
        %dma_start3A_432 = tpu.memref_slice %arg8[%dma_start3A_429, %dma_start3A_430, %dma_start3A_431] : memref<4x200x64xf32, #tpu.memory_space<vmem>> -> memref<1x72x64xf32, #tpu.memory_space<vmem>>
        %dma_start3A_433 = tpu.memref_squeeze %dma_start3A_432 : memref<1x72x64xf32, #tpu.memory_space<vmem>> -> memref<72x64xf32, #tpu.memory_space<vmem>>
        %dma_start3A_434 = arith.constant 128 : i32
        %dma_start3A_435 = tpu.memref_slice %arg6[%dma_start3A_428, %dma_start3A_434] : memref<4x200xi32, #tpu.memory_space<vmem>> -> memref<1x72xi32, #tpu.memory_space<vmem>>
        %dma_start3A_436 = tpu.memref_squeeze %dma_start3A_435 : memref<1x72xi32, #tpu.memory_space<vmem>> -> memref<72xi32, #tpu.memory_space<vmem>>
        %dma_start3A_437 = arith.constant 0 : i32
        %dma_start3A_438 = arith.constant 0 : i32
        %dma_start3A_439 = tpu.memref_slice %arg3[%dma_start3A_437, %dma_start3A_438] : memref<1000000x64xf32, #tpu.memory_space<hbm>> -> memref<1000000x64xf32, #tpu.memory_space<hbm>>
        tpu.enqueue_indirect_dma source(%dma_start3A_439 : memref<1000000x64xf32, #tpu.memory_space<hbm>>) target(%dma_start3A_433 : memref<72x64xf32, #tpu.memory_space<vmem>>) offsets(%dma_start3A_436 : memref<72xi32, #tpu.memory_space<vmem>>) semaphore(%arg12 : memref<!tpu.dma_semaphore, #tpu.memory_space<semaphore_mem>>)
        %dma_start3A_440 = arith.constant 2 : i32
        %dma_start3A_441 = arith.constant 2 : i32
        %dma_start3A_442 = arith.constant 0 : i32
        %dma_start3A_443 = arith.constant 0 : i32
        %dma_start3A_444 = tpu.memref_slice %arg8[%dma_start3A_441, %dma_start3A_442, %dma_start3A_443] : memref<4x200x64xf32, #tpu.memory_space<vmem>> -> memref<1x128x64xf32, #tpu.memory_space<vmem>>
        %dma_start3A_445 = tpu.memref_squeeze %dma_start3A_444 : memref<1x128x64xf32, #tpu.memory_space<vmem>> -> memref<128x64xf32, #tpu.memory_space<vmem>>
        %dma_start3A_446 = arith.constant 0 : i32
        %dma_start3A_447 = tpu.memref_slice %arg6[%dma_start3A_440, %dma_start3A_446] : memref<4x200xi32, #tpu.memory_space<vmem>> -> memref<1x128xi32, #tpu.memory_space<vmem>>
        %dma_start3A_448 = tpu.memref_squeeze %dma_start3A_447 : memref<1x128xi32, #tpu.memory_space<vmem>> -> memref<128xi32, #tpu.memory_space<vmem>>
        %dma_start3A_449 = arith.constant 0 : i32
        %dma_start3A_450 = arith.constant 0 : i32
        %dma_start3A_451 = tpu.memref_slice %arg3[%dma_start3A_449, %dma_start3A_450] : memref<1000000x64xf32, #tpu.memory_space<hbm>> -> memref<1000000x64xf32, #tpu.memory_space<hbm>>
        tpu.enqueue_indirect_dma source(%dma_start3A_451 : memref<1000000x64xf32, #tpu.memory_space<hbm>>) target(%dma_start3A_445 : memref<128x64xf32, #tpu.memory_space<vmem>>) offsets(%dma_start3A_448 : memref<128xi32, #tpu.memory_space<vmem>>) semaphore(%arg12 : memref<!tpu.dma_semaphore, #tpu.memory_space<semaphore_mem>>)
        %dma_start3A_452 = arith.constant 2 : i32
        %dma_start3A_453 = arith.constant 2 : i32
        %dma_start3A_454 = arith.constant 128 : i32
        %dma_start3A_455 = arith.constant 0 : i32
        %dma_start3A_456 = tpu.memref_slice %arg8[%dma_start3A_453, %dma_start3A_454, %dma_start3A_455] : memref<4x200x64xf32, #tpu.memory_space<vmem>> -> memref<1x72x64xf32, #tpu.memory_space<vmem>>
        %dma_start3A_457 = tpu.memref_squeeze %dma_start3A_456 : memref<1x72x64xf32, #tpu.memory_space<vmem>> -> memref<72x64xf32, #tpu.memory_space<vmem>>
        %dma_start3A_458 = arith.constant 128 : i32
        %dma_start3A_459 = tpu.memref_slice %arg6[%dma_start3A_452, %dma_start3A_458] : memref<4x200xi32, #tpu.memory_space<vmem>> -> memref<1x72xi32, #tpu.memory_space<vmem>>
        %dma_start3A_460 = tpu.memref_squeeze %dma_start3A_459 : memref<1x72xi32, #tpu.memory_space<vmem>> -> memref<72xi32, #tpu.memory_space<vmem>>
        %dma_start3A_461 = arith.constant 0 : i32
        %dma_start3A_462 = arith.constant 0 : i32
        %dma_start3A_463 = tpu.memref_slice %arg3[%dma_start3A_461, %dma_start3A_462] : memref<1000000x64xf32, #tpu.memory_space<hbm>> -> memref<1000000x64xf32, #tpu.memory_space<hbm>>
        tpu.enqueue_indirect_dma source(%dma_start3A_463 : memref<1000000x64xf32, #tpu.memory_space<hbm>>) target(%dma_start3A_457 : memref<72x64xf32, #tpu.memory_space<vmem>>) offsets(%dma_start3A_460 : memref<72xi32, #tpu.memory_space<vmem>>) semaphore(%arg12 : memref<!tpu.dma_semaphore, #tpu.memory_space<semaphore_mem>>)
        %dma_start3A_464 = arith.constant 3 : i32
        %dma_start3A_465 = arith.constant 3 : i32
        %dma_start3A_466 = arith.constant 0 : i32
        %dma_start3A_467 = arith.constant 0 : i32
        %dma_start3A_468 = tpu.memref_slice %arg8[%dma_start3A_465, %dma_start3A_466, %dma_start3A_467] : memref<4x200x64xf32, #tpu.memory_space<vmem>> -> memref<1x128x64xf32, #tpu.memory_space<vmem>>
        %dma_start3A_469 = tpu.memref_squeeze %dma_start3A_468 : memref<1x128x64xf32, #tpu.memory_space<vmem>> -> memref<128x64xf32, #tpu.memory_space<vmem>>
        %dma_start3A_470 = arith.constant 0 : i32
        %dma_start3A_471 = tpu.memref_slice %arg6[%dma_start3A_464, %dma_start3A_470] : memref<4x200xi32, #tpu.memory_space<vmem>> -> memref<1x128xi32, #tpu.memory_space<vmem>>
        %dma_start3A_472 = tpu.memref_squeeze %dma_start3A_471 : memref<1x128xi32, #tpu.memory_space<vmem>> -> memref<128xi32, #tpu.memory_space<vmem>>
        %dma_start3A_473 = arith.constant 0 : i32
        %dma_start3A_474 = arith.constant 0 : i32
        %dma_start3A_475 = tpu.memref_slice %arg3[%dma_start3A_473, %dma_start3A_474] : memref<1000000x64xf32, #tpu.memory_space<hbm>> -> memref<1000000x64xf32, #tpu.memory_space<hbm>>
        tpu.enqueue_indirect_dma source(%dma_start3A_475 : memref<1000000x64xf32, #tpu.memory_space<hbm>>) target(%dma_start3A_469 : memref<128x64xf32, #tpu.memory_space<vmem>>) offsets(%dma_start3A_472 : memref<128xi32, #tpu.memory_space<vmem>>) semaphore(%arg12 : memref<!tpu.dma_semaphore, #tpu.memory_space<semaphore_mem>>)
        %dma_start3A_476 = arith.constant 3 : i32
        %dma_start3A_477 = arith.constant 3 : i32
        %dma_start3A_478 = arith.constant 128 : i32
        %dma_start3A_479 = arith.constant 0 : i32
        %dma_start3A_480 = tpu.memref_slice %arg8[%dma_start3A_477, %dma_start3A_478, %dma_start3A_479] : memref<4x200x64xf32, #tpu.memory_space<vmem>> -> memref<1x72x64xf32, #tpu.memory_space<vmem>>
        %dma_start3A_481 = tpu.memref_squeeze %dma_start3A_480 : memref<1x72x64xf32, #tpu.memory_space<vmem>> -> memref<72x64xf32, #tpu.memory_space<vmem>>
        %dma_start3A_482 = arith.constant 128 : i32
        %dma_start3A_483 = tpu.memref_slice %arg6[%dma_start3A_476, %dma_start3A_482] : memref<4x200xi32, #tpu.memory_space<vmem>> -> memref<1x72xi32, #tpu.memory_space<vmem>>
        %dma_start3A_484 = tpu.memref_squeeze %dma_start3A_483 : memref<1x72xi32, #tpu.memory_space<vmem>> -> memref<72xi32, #tpu.memory_space<vmem>>
        %dma_start3A_485 = arith.constant 0 : i32
        %dma_start3A_486 = arith.constant 0 : i32
        %dma_start3A_487 = tpu.memref_slice %arg3[%dma_start3A_485, %dma_start3A_486] : memref<1000000x64xf32, #tpu.memory_space<hbm>> -> memref<1000000x64xf32, #tpu.memory_space<hbm>>
        tpu.enqueue_indirect_dma source(%dma_start3A_487 : memref<1000000x64xf32, #tpu.memory_space<hbm>>) target(%dma_start3A_481 : memref<72x64xf32, #tpu.memory_space<vmem>>) offsets(%dma_start3A_484 : memref<72xi32, #tpu.memory_space<vmem>>) semaphore(%arg12 : memref<!tpu.dma_semaphore, #tpu.memory_space<semaphore_mem>>)
      } else {
      }
      %dma_wait3A_146 = arith.constant 0 : i32
      %dma_wait3A_147 = arith.constant 0 : i32
      %dma_wait3A_148 = arith.constant 0 : i32
      %dma_wait3A_149 = arith.constant 0 : i32
      %dma_wait3A_150 = tpu.memref_slice %arg7[%dma_wait3A_147, %dma_wait3A_148, %dma_wait3A_149] : memref<4x200x64xf32, #tpu.memory_space<vmem>> -> memref<1x128x64xf32, #tpu.memory_space<vmem>>
      %dma_wait3A_151 = tpu.memref_squeeze %dma_wait3A_150 : memref<1x128x64xf32, #tpu.memory_space<vmem>> -> memref<128x64xf32, #tpu.memory_space<vmem>>
      %dma_wait3A_152 = arith.constant 0 : i32
      %dma_wait3A_153 = tpu.memref_slice %arg5[%dma_wait3A_146, %dma_wait3A_152] : memref<4x200xi32, #tpu.memory_space<vmem>> -> memref<1x128xi32, #tpu.memory_space<vmem>>
      %dma_wait3A_154 = tpu.memref_squeeze %dma_wait3A_153 : memref<1x128xi32, #tpu.memory_space<vmem>> -> memref<128xi32, #tpu.memory_space<vmem>>
      %dma_wait3A_155 = arith.constant 0 : i32
      %dma_wait3A_156 = arith.constant 0 : i32
      %dma_wait3A_157 = tpu.memref_slice %arg3[%dma_wait3A_155, %dma_wait3A_156] : memref<1000000x64xf32, #tpu.memory_space<hbm>> -> memref<1000000x64xf32, #tpu.memory_space<hbm>>
      tpu.wait_indirect_dma semaphore(%arg11 : memref<!tpu.dma_semaphore, #tpu.memory_space<semaphore_mem>>) src(%dma_wait3A_157 : memref<1000000x64xf32, #tpu.memory_space<hbm>>) dst(%dma_wait3A_151 : memref<128x64xf32, #tpu.memory_space<vmem>>)
      %dma_wait3A_158 = arith.constant 0 : i32
      %dma_wait3A_159 = arith.constant 0 : i32
      %dma_wait3A_160 = arith.constant 128 : i32
      %dma_wait3A_161 = arith.constant 0 : i32
      %dma_wait3A_162 = tpu.memref_slice %arg7[%dma_wait3A_159, %dma_wait3A_160, %dma_wait3A_161] : memref<4x200x64xf32, #tpu.memory_space<vmem>> -> memref<1x72x64xf32, #tpu.memory_space<vmem>>
      %dma_wait3A_163 = tpu.memref_squeeze %dma_wait3A_162 : memref<1x72x64xf32, #tpu.memory_space<vmem>> -> memref<72x64xf32, #tpu.memory_space<vmem>>
      %dma_wait3A_164 = arith.constant 128 : i32
      %dma_wait3A_165 = tpu.memref_slice %arg5[%dma_wait3A_158, %dma_wait3A_164] : memref<4x200xi32, #tpu.memory_space<vmem>> -> memref<1x72xi32, #tpu.memory_space<vmem>>
      %dma_wait3A_166 = tpu.memref_squeeze %dma_wait3A_165 : memref<1x72xi32, #tpu.memory_space<vmem>> -> memref<72xi32, #tpu.memory_space<vmem>>
      %dma_wait3A_167 = arith.constant 0 : i32
      %dma_wait3A_168 = arith.constant 0 : i32
      %dma_wait3A_169 = tpu.memref_slice %arg3[%dma_wait3A_167, %dma_wait3A_168] : memref<1000000x64xf32, #tpu.memory_space<hbm>> -> memref<1000000x64xf32, #tpu.memory_space<hbm>>
      tpu.wait_indirect_dma semaphore(%arg11 : memref<!tpu.dma_semaphore, #tpu.memory_space<semaphore_mem>>) src(%dma_wait3A_169 : memref<1000000x64xf32, #tpu.memory_space<hbm>>) dst(%dma_wait3A_163 : memref<72x64xf32, #tpu.memory_space<vmem>>)
      %dma_wait3A_170 = arith.constant 1 : i32
      %dma_wait3A_171 = arith.constant 1 : i32
      %dma_wait3A_172 = arith.constant 0 : i32
      %dma_wait3A_173 = arith.constant 0 : i32
      %dma_wait3A_174 = tpu.memref_slice %arg7[%dma_wait3A_171, %dma_wait3A_172, %dma_wait3A_173] : memref<4x200x64xf32, #tpu.memory_space<vmem>> -> memref<1x128x64xf32, #tpu.memory_space<vmem>>
      %dma_wait3A_175 = tpu.memref_squeeze %dma_wait3A_174 : memref<1x128x64xf32, #tpu.memory_space<vmem>> -> memref<128x64xf32, #tpu.memory_space<vmem>>
      %dma_wait3A_176 = arith.constant 0 : i32
      %dma_wait3A_177 = tpu.memref_slice %arg5[%dma_wait3A_170, %dma_wait3A_176] : memref<4x200xi32, #tpu.memory_space<vmem>> -> memref<1x128xi32, #tpu.memory_space<vmem>>
      %dma_wait3A_178 = tpu.memref_squeeze %dma_wait3A_177 : memref<1x128xi32, #tpu.memory_space<vmem>> -> memref<128xi32, #tpu.memory_space<vmem>>
      %dma_wait3A_179 = arith.constant 0 : i32
      %dma_wait3A_180 = arith.constant 0 : i32
      %dma_wait3A_181 = tpu.memref_slice %arg3[%dma_wait3A_179, %dma_wait3A_180] : memref<1000000x64xf32, #tpu.memory_space<hbm>> -> memref<1000000x64xf32, #tpu.memory_space<hbm>>
      tpu.wait_indirect_dma semaphore(%arg11 : memref<!tpu.dma_semaphore, #tpu.memory_space<semaphore_mem>>) src(%dma_wait3A_181 : memref<1000000x64xf32, #tpu.memory_space<hbm>>) dst(%dma_wait3A_175 : memref<128x64xf32, #tpu.memory_space<vmem>>)
      %dma_wait3A_182 = arith.constant 1 : i32
      %dma_wait3A_183 = arith.constant 1 : i32
      %dma_wait3A_184 = arith.constant 128 : i32
      %dma_wait3A_185 = arith.constant 0 : i32
      %dma_wait3A_186 = tpu.memref_slice %arg7[%dma_wait3A_183, %dma_wait3A_184, %dma_wait3A_185] : memref<4x200x64xf32, #tpu.memory_space<vmem>> -> memref<1x72x64xf32, #tpu.memory_space<vmem>>
      %dma_wait3A_187 = tpu.memref_squeeze %dma_wait3A_186 : memref<1x72x64xf32, #tpu.memory_space<vmem>> -> memref<72x64xf32, #tpu.memory_space<vmem>>
      %dma_wait3A_188 = arith.constant 128 : i32
      %dma_wait3A_189 = tpu.memref_slice %arg5[%dma_wait3A_182, %dma_wait3A_188] : memref<4x200xi32, #tpu.memory_space<vmem>> -> memref<1x72xi32, #tpu.memory_space<vmem>>
      %dma_wait3A_190 = tpu.memref_squeeze %dma_wait3A_189 : memref<1x72xi32, #tpu.memory_space<vmem>> -> memref<72xi32, #tpu.memory_space<vmem>>
      %dma_wait3A_191 = arith.constant 0 : i32
      %dma_wait3A_192 = arith.constant 0 : i32
      %dma_wait3A_193 = tpu.memref_slice %arg3[%dma_wait3A_191, %dma_wait3A_192] : memref<1000000x64xf32, #tpu.memory_space<hbm>> -> memref<1000000x64xf32, #tpu.memory_space<hbm>>
      tpu.wait_indirect_dma semaphore(%arg11 : memref<!tpu.dma_semaphore, #tpu.memory_space<semaphore_mem>>) src(%dma_wait3A_193 : memref<1000000x64xf32, #tpu.memory_space<hbm>>) dst(%dma_wait3A_187 : memref<72x64xf32, #tpu.memory_space<vmem>>)
      %dma_wait3A_194 = arith.constant 2 : i32
      %dma_wait3A_195 = arith.constant 2 : i32
      %dma_wait3A_196 = arith.constant 0 : i32
      %dma_wait3A_197 = arith.constant 0 : i32
      %dma_wait3A_198 = tpu.memref_slice %arg7[%dma_wait3A_195, %dma_wait3A_196, %dma_wait3A_197] : memref<4x200x64xf32, #tpu.memory_space<vmem>> -> memref<1x128x64xf32, #tpu.memory_space<vmem>>
      %dma_wait3A_199 = tpu.memref_squeeze %dma_wait3A_198 : memref<1x128x64xf32, #tpu.memory_space<vmem>> -> memref<128x64xf32, #tpu.memory_space<vmem>>
      %dma_wait3A_200 = arith.constant 0 : i32
      %dma_wait3A_201 = tpu.memref_slice %arg5[%dma_wait3A_194, %dma_wait3A_200] : memref<4x200xi32, #tpu.memory_space<vmem>> -> memref<1x128xi32, #tpu.memory_space<vmem>>
      %dma_wait3A_202 = tpu.memref_squeeze %dma_wait3A_201 : memref<1x128xi32, #tpu.memory_space<vmem>> -> memref<128xi32, #tpu.memory_space<vmem>>
      %dma_wait3A_203 = arith.constant 0 : i32
      %dma_wait3A_204 = arith.constant 0 : i32
      %dma_wait3A_205 = tpu.memref_slice %arg3[%dma_wait3A_203, %dma_wait3A_204] : memref<1000000x64xf32, #tpu.memory_space<hbm>> -> memref<1000000x64xf32, #tpu.memory_space<hbm>>
      tpu.wait_indirect_dma semaphore(%arg11 : memref<!tpu.dma_semaphore, #tpu.memory_space<semaphore_mem>>) src(%dma_wait3A_205 : memref<1000000x64xf32, #tpu.memory_space<hbm>>) dst(%dma_wait3A_199 : memref<128x64xf32, #tpu.memory_space<vmem>>)
      %dma_wait3A_206 = arith.constant 2 : i32
      %dma_wait3A_207 = arith.constant 2 : i32
      %dma_wait3A_208 = arith.constant 128 : i32
      %dma_wait3A_209 = arith.constant 0 : i32
      %dma_wait3A_210 = tpu.memref_slice %arg7[%dma_wait3A_207, %dma_wait3A_208, %dma_wait3A_209] : memref<4x200x64xf32, #tpu.memory_space<vmem>> -> memref<1x72x64xf32, #tpu.memory_space<vmem>>
      %dma_wait3A_211 = tpu.memref_squeeze %dma_wait3A_210 : memref<1x72x64xf32, #tpu.memory_space<vmem>> -> memref<72x64xf32, #tpu.memory_space<vmem>>
      %dma_wait3A_212 = arith.constant 128 : i32
      %dma_wait3A_213 = tpu.memref_slice %arg5[%dma_wait3A_206, %dma_wait3A_212] : memref<4x200xi32, #tpu.memory_space<vmem>> -> memref<1x72xi32, #tpu.memory_space<vmem>>
      %dma_wait3A_214 = tpu.memref_squeeze %dma_wait3A_213 : memref<1x72xi32, #tpu.memory_space<vmem>> -> memref<72xi32, #tpu.memory_space<vmem>>
      %dma_wait3A_215 = arith.constant 0 : i32
      %dma_wait3A_216 = arith.constant 0 : i32
      %dma_wait3A_217 = tpu.memref_slice %arg3[%dma_wait3A_215, %dma_wait3A_216] : memref<1000000x64xf32, #tpu.memory_space<hbm>> -> memref<1000000x64xf32, #tpu.memory_space<hbm>>
      tpu.wait_indirect_dma semaphore(%arg11 : memref<!tpu.dma_semaphore, #tpu.memory_space<semaphore_mem>>) src(%dma_wait3A_217 : memref<1000000x64xf32, #tpu.memory_space<hbm>>) dst(%dma_wait3A_211 : memref<72x64xf32, #tpu.memory_space<vmem>>)
      %dma_wait3A_218 = arith.constant 3 : i32
      %dma_wait3A_219 = arith.constant 3 : i32
      %dma_wait3A_220 = arith.constant 0 : i32
      %dma_wait3A_221 = arith.constant 0 : i32
      %dma_wait3A_222 = tpu.memref_slice %arg7[%dma_wait3A_219, %dma_wait3A_220, %dma_wait3A_221] : memref<4x200x64xf32, #tpu.memory_space<vmem>> -> memref<1x128x64xf32, #tpu.memory_space<vmem>>
      %dma_wait3A_223 = tpu.memref_squeeze %dma_wait3A_222 : memref<1x128x64xf32, #tpu.memory_space<vmem>> -> memref<128x64xf32, #tpu.memory_space<vmem>>
      %dma_wait3A_224 = arith.constant 0 : i32
      %dma_wait3A_225 = tpu.memref_slice %arg5[%dma_wait3A_218, %dma_wait3A_224] : memref<4x200xi32, #tpu.memory_space<vmem>> -> memref<1x128xi32, #tpu.memory_space<vmem>>
      %dma_wait3A_226 = tpu.memref_squeeze %dma_wait3A_225 : memref<1x128xi32, #tpu.memory_space<vmem>> -> memref<128xi32, #tpu.memory_space<vmem>>
      %dma_wait3A_227 = arith.constant 0 : i32
      %dma_wait3A_228 = arith.constant 0 : i32
      %dma_wait3A_229 = tpu.memref_slice %arg3[%dma_wait3A_227, %dma_wait3A_228] : memref<1000000x64xf32, #tpu.memory_space<hbm>> -> memref<1000000x64xf32, #tpu.memory_space<hbm>>
      tpu.wait_indirect_dma semaphore(%arg11 : memref<!tpu.dma_semaphore, #tpu.memory_space<semaphore_mem>>) src(%dma_wait3A_229 : memref<1000000x64xf32, #tpu.memory_space<hbm>>) dst(%dma_wait3A_223 : memref<128x64xf32, #tpu.memory_space<vmem>>)
      %dma_wait3A_230 = arith.constant 3 : i32
      %dma_wait3A_231 = arith.constant 3 : i32
      %dma_wait3A_232 = arith.constant 128 : i32
      %dma_wait3A_233 = arith.constant 0 : i32
      %dma_wait3A_234 = tpu.memref_slice %arg7[%dma_wait3A_231, %dma_wait3A_232, %dma_wait3A_233] : memref<4x200x64xf32, #tpu.memory_space<vmem>> -> memref<1x72x64xf32, #tpu.memory_space<vmem>>
      %dma_wait3A_235 = tpu.memref_squeeze %dma_wait3A_234 : memref<1x72x64xf32, #tpu.memory_space<vmem>> -> memref<72x64xf32, #tpu.memory_space<vmem>>
      %dma_wait3A_236 = arith.constant 128 : i32
      %dma_wait3A_237 = tpu.memref_slice %arg5[%dma_wait3A_230, %dma_wait3A_236] : memref<4x200xi32, #tpu.memory_space<vmem>> -> memref<1x72xi32, #tpu.memory_space<vmem>>
      %dma_wait3A_238 = tpu.memref_squeeze %dma_wait3A_237 : memref<1x72xi32, #tpu.memory_space<vmem>> -> memref<72xi32, #tpu.memory_space<vmem>>
      %dma_wait3A_239 = arith.constant 0 : i32
      %dma_wait3A_240 = arith.constant 0 : i32
      %dma_wait3A_241 = tpu.memref_slice %arg3[%dma_wait3A_239, %dma_wait3A_240] : memref<1000000x64xf32, #tpu.memory_space<hbm>> -> memref<1000000x64xf32, #tpu.memory_space<hbm>>
      tpu.wait_indirect_dma semaphore(%arg11 : memref<!tpu.dma_semaphore, #tpu.memory_space<semaphore_mem>>) src(%dma_wait3A_241 : memref<1000000x64xf32, #tpu.memory_space<hbm>>) dst(%dma_wait3A_235 : memref<72x64xf32, #tpu.memory_space<vmem>>)
      %mul3A_242 = arith.constant 4 : i32
      %mul3A_243 = arith.muli %add3A_141, %mul3A_242 : i32
      %add3A_244 = arith.addi %mul3A_2, %mul3A_243 : i32
      %dma_start3A_245 = arith.constant 0 : i32
      %dma_start3A_246 = arith.constant 0 : i32
      %dma_start3A_247 = tpu.memref_slice %arg4[%add3A_244, %dma_start3A_245, %dma_start3A_246] : memref<4096x200x128xf32, #tpu.memory_space<hbm>> -> memref<4x200x64xf32, #tpu.memory_space<hbm>>
      %dma_start3A_248 = arith.constant 0 : i32
      %dma_start3A_249 = arith.constant 0 : i32
      %dma_start3A_250 = tpu.memref_slice %arg4[%add3A_244, %dma_start3A_248, %dma_start3A_249] : memref<4096x200x128xf32, #tpu.memory_space<hbm>> -> memref<4x200x64xf32, #tpu.memory_space<hbm>>
      tpu.enqueue_dma source(%arg7 : memref<4x200x64xf32, #tpu.memory_space<vmem>>) target(%dma_start3A_250 : memref<4x200x64xf32, #tpu.memory_space<hbm>>) target_semaphore(%arg13 : memref<!tpu.dma_semaphore, #tpu.memory_space<semaphore_mem>>)
      %add3A_251 = arith.constant 2 : i32
      %add3A_252 = arith.addi %add3A_141, %add3A_251 : i32
      %lt3A_253 = arith.constant 32 : i32
      %lt3A_254 = arith.cmpi slt, %add3A_252, %lt3A_253 : i32
      %convert_element_type3A_255 = arith.extui %lt3A_254 : i1 to i32
      %cond3A_256 = arith.constant 0 : i32
      %cond3A_257 = arith.cmpi ne, %convert_element_type3A_255, %cond3A_256 : i32
      scf.if %cond3A_257 {
        %add3A_379 = arith.constant 2 : i32
        %add3A_380 = arith.addi %add3A_141, %add3A_379 : i32
        %mul3A_381 = arith.constant 4 : i32
        %mul3A_382 = arith.muli %add3A_380, %mul3A_381 : i32
        %add3A_383 = arith.addi %mul3A_2, %mul3A_382 : i32
        %dma_start3A_384 = arith.constant 0 : i32
        %dma_start3A_385 = tpu.memref_slice %arg2[%add3A_383, %dma_start3A_384] : memref<4096x200xi32, #tpu.memory_space<hbm>> -> memref<4x200xi32, #tpu.memory_space<hbm>>
        %dma_start3A_386 = arith.constant 0 : i32
        %dma_start3A_387 = tpu.memref_slice %arg2[%add3A_383, %dma_start3A_386] : memref<4096x200xi32, #tpu.memory_space<hbm>> -> memref<4x200xi32, #tpu.memory_space<hbm>>
        tpu.enqueue_dma source(%dma_start3A_387 : memref<4x200xi32, #tpu.memory_space<hbm>>) target(%arg5 : memref<4x200xi32, #tpu.memory_space<vmem>>) target_semaphore(%arg9 : memref<!tpu.dma_semaphore, #tpu.memory_space<semaphore_mem>>)
      } else {
      }
      %add3A_258 = arith.constant 1 : i32
      %add3A_259 = arith.addi %add3A_139, %add3A_258 : i32
      %add3A_260 = arith.constant 1 : i32
      %add3A_261 = arith.addi %add3A_259, %add3A_260 : i32
      %lt3A_262 = arith.constant 32 : i32
      %lt3A_263 = arith.cmpi slt, %add3A_261, %lt3A_262 : i32
      %convert_element_type3A_264 = arith.extui %lt3A_263 : i1 to i32
      %cond3A_265 = arith.constant 0 : i32
      %cond3A_266 = arith.cmpi ne, %convert_element_type3A_264, %cond3A_265 : i32
      scf.if %cond3A_266 {
        %add3A_379 = arith.constant 1 : i32
        %add3A_380 = arith.addi %add3A_259, %add3A_379 : i32
        %mul3A_381 = arith.constant 4 : i32
        %mul3A_382 = arith.muli %add3A_380, %mul3A_381 : i32
        %add3A_383 = arith.addi %mul3A_2, %mul3A_382 : i32
        %dma_wait3A_384 = arith.constant 0 : i32
        %dma_wait3A_385 = tpu.memref_slice %arg2[%add3A_383, %dma_wait3A_384] : memref<4096x200xi32, #tpu.memory_space<hbm>> -> memref<4x200xi32, #tpu.memory_space<hbm>>
        %dma_wait3A_386 = arith.constant 0 : i32
        %dma_wait3A_387 = tpu.memref_slice %arg2[%add3A_383, %dma_wait3A_386] : memref<4096x200xi32, #tpu.memory_space<hbm>> -> memref<4x200xi32, #tpu.memory_space<hbm>>
        tpu.wait_dma2 semaphore(%arg9 : memref<!tpu.dma_semaphore, #tpu.memory_space<semaphore_mem>>) src(%dma_wait3A_387 : memref<4x200xi32, #tpu.memory_space<hbm>>) dst(%arg5 : memref<4x200xi32, #tpu.memory_space<vmem>>)
        %ge3A = arith.constant 1 : i32
        %ge3A_388 = arith.cmpi sge, %add3A_259, %ge3A : i32
        %convert_element_type3A_389 = arith.extui %ge3A_388 : i1 to i32
        %cond3A_390 = arith.constant 0 : i32
        %cond3A_391 = arith.cmpi ne, %convert_element_type3A_389, %cond3A_390 : i32
        scf.if %cond3A_391 {
          %sub3A = arith.constant 1 : i32
          %sub3A_488 = arith.subi %add3A_259, %sub3A : i32
          %mul3A_489 = arith.constant 4 : i32
          %mul3A_490 = arith.muli %sub3A_488, %mul3A_489 : i32
          %add3A_491 = arith.addi %mul3A_2, %mul3A_490 : i32
          %dma_wait3A_492 = arith.constant 0 : i32
          %dma_wait3A_493 = arith.constant 0 : i32
          %dma_wait3A_494 = tpu.memref_slice %arg4[%add3A_491, %dma_wait3A_492, %dma_wait3A_493] : memref<4096x200x128xf32, #tpu.memory_space<hbm>> -> memref<4x200x64xf32, #tpu.memory_space<hbm>>
          %dma_wait3A_495 = arith.constant 0 : i32
          %dma_wait3A_496 = arith.constant 0 : i32
          %dma_wait3A_497 = tpu.memref_slice %arg4[%add3A_491, %dma_wait3A_495, %dma_wait3A_496] : memref<4096x200x128xf32, #tpu.memory_space<hbm>> -> memref<4x200x64xf32, #tpu.memory_space<hbm>>
          tpu.wait_dma2 semaphore(%arg13 : memref<!tpu.dma_semaphore, #tpu.memory_space<semaphore_mem>>) src(%arg7 : memref<4x200x64xf32, #tpu.memory_space<vmem>>) dst(%dma_wait3A_497 : memref<4x200x64xf32, #tpu.memory_space<hbm>>)
        } else {
        }
        %dma_start3A_392 = arith.constant 0 : i32
        %dma_start3A_393 = arith.constant 0 : i32
        %dma_start3A_394 = arith.constant 0 : i32
        %dma_start3A_395 = arith.constant 0 : i32
        %dma_start3A_396 = tpu.memref_slice %arg7[%dma_start3A_393, %dma_start3A_394, %dma_start3A_395] : memref<4x200x64xf32, #tpu.memory_space<vmem>> -> memref<1x128x64xf32, #tpu.memory_space<vmem>>
        %dma_start3A_397 = tpu.memref_squeeze %dma_start3A_396 : memref<1x128x64xf32, #tpu.memory_space<vmem>> -> memref<128x64xf32, #tpu.memory_space<vmem>>
        %dma_start3A_398 = arith.constant 0 : i32
        %dma_start3A_399 = tpu.memref_slice %arg5[%dma_start3A_392, %dma_start3A_398] : memref<4x200xi32, #tpu.memory_space<vmem>> -> memref<1x128xi32, #tpu.memory_space<vmem>>
        %dma_start3A_400 = tpu.memref_squeeze %dma_start3A_399 : memref<1x128xi32, #tpu.memory_space<vmem>> -> memref<128xi32, #tpu.memory_space<vmem>>
        %dma_start3A_401 = arith.constant 0 : i32
        %dma_start3A_402 = arith.constant 0 : i32
        %dma_start3A_403 = tpu.memref_slice %arg3[%dma_start3A_401, %dma_start3A_402] : memref<1000000x64xf32, #tpu.memory_space<hbm>> -> memref<1000000x64xf32, #tpu.memory_space<hbm>>
        tpu.enqueue_indirect_dma source(%dma_start3A_403 : memref<1000000x64xf32, #tpu.memory_space<hbm>>) target(%dma_start3A_397 : memref<128x64xf32, #tpu.memory_space<vmem>>) offsets(%dma_start3A_400 : memref<128xi32, #tpu.memory_space<vmem>>) semaphore(%arg11 : memref<!tpu.dma_semaphore, #tpu.memory_space<semaphore_mem>>)
        %dma_start3A_404 = arith.constant 0 : i32
        %dma_start3A_405 = arith.constant 0 : i32
        %dma_start3A_406 = arith.constant 128 : i32
        %dma_start3A_407 = arith.constant 0 : i32
        %dma_start3A_408 = tpu.memref_slice %arg7[%dma_start3A_405, %dma_start3A_406, %dma_start3A_407] : memref<4x200x64xf32, #tpu.memory_space<vmem>> -> memref<1x72x64xf32, #tpu.memory_space<vmem>>
        %dma_start3A_409 = tpu.memref_squeeze %dma_start3A_408 : memref<1x72x64xf32, #tpu.memory_space<vmem>> -> memref<72x64xf32, #tpu.memory_space<vmem>>
        %dma_start3A_410 = arith.constant 128 : i32
        %dma_start3A_411 = tpu.memref_slice %arg5[%dma_start3A_404, %dma_start3A_410] : memref<4x200xi32, #tpu.memory_space<vmem>> -> memref<1x72xi32, #tpu.memory_space<vmem>>
        %dma_start3A_412 = tpu.memref_squeeze %dma_start3A_411 : memref<1x72xi32, #tpu.memory_space<vmem>> -> memref<72xi32, #tpu.memory_space<vmem>>
        %dma_start3A_413 = arith.constant 0 : i32
        %dma_start3A_414 = arith.constant 0 : i32
        %dma_start3A_415 = tpu.memref_slice %arg3[%dma_start3A_413, %dma_start3A_414] : memref<1000000x64xf32, #tpu.memory_space<hbm>> -> memref<1000000x64xf32, #tpu.memory_space<hbm>>
        tpu.enqueue_indirect_dma source(%dma_start3A_415 : memref<1000000x64xf32, #tpu.memory_space<hbm>>) target(%dma_start3A_409 : memref<72x64xf32, #tpu.memory_space<vmem>>) offsets(%dma_start3A_412 : memref<72xi32, #tpu.memory_space<vmem>>) semaphore(%arg11 : memref<!tpu.dma_semaphore, #tpu.memory_space<semaphore_mem>>)
        %dma_start3A_416 = arith.constant 1 : i32
        %dma_start3A_417 = arith.constant 1 : i32
        %dma_start3A_418 = arith.constant 0 : i32
        %dma_start3A_419 = arith.constant 0 : i32
        %dma_start3A_420 = tpu.memref_slice %arg7[%dma_start3A_417, %dma_start3A_418, %dma_start3A_419] : memref<4x200x64xf32, #tpu.memory_space<vmem>> -> memref<1x128x64xf32, #tpu.memory_space<vmem>>
        %dma_start3A_421 = tpu.memref_squeeze %dma_start3A_420 : memref<1x128x64xf32, #tpu.memory_space<vmem>> -> memref<128x64xf32, #tpu.memory_space<vmem>>
        %dma_start3A_422 = arith.constant 0 : i32
        %dma_start3A_423 = tpu.memref_slice %arg5[%dma_start3A_416, %dma_start3A_422] : memref<4x200xi32, #tpu.memory_space<vmem>> -> memref<1x128xi32, #tpu.memory_space<vmem>>
        %dma_start3A_424 = tpu.memref_squeeze %dma_start3A_423 : memref<1x128xi32, #tpu.memory_space<vmem>> -> memref<128xi32, #tpu.memory_space<vmem>>
        %dma_start3A_425 = arith.constant 0 : i32
        %dma_start3A_426 = arith.constant 0 : i32
        %dma_start3A_427 = tpu.memref_slice %arg3[%dma_start3A_425, %dma_start3A_426] : memref<1000000x64xf32, #tpu.memory_space<hbm>> -> memref<1000000x64xf32, #tpu.memory_space<hbm>>
        tpu.enqueue_indirect_dma source(%dma_start3A_427 : memref<1000000x64xf32, #tpu.memory_space<hbm>>) target(%dma_start3A_421 : memref<128x64xf32, #tpu.memory_space<vmem>>) offsets(%dma_start3A_424 : memref<128xi32, #tpu.memory_space<vmem>>) semaphore(%arg11 : memref<!tpu.dma_semaphore, #tpu.memory_space<semaphore_mem>>)
        %dma_start3A_428 = arith.constant 1 : i32
        %dma_start3A_429 = arith.constant 1 : i32
        %dma_start3A_430 = arith.constant 128 : i32
        %dma_start3A_431 = arith.constant 0 : i32
        %dma_start3A_432 = tpu.memref_slice %arg7[%dma_start3A_429, %dma_start3A_430, %dma_start3A_431] : memref<4x200x64xf32, #tpu.memory_space<vmem>> -> memref<1x72x64xf32, #tpu.memory_space<vmem>>
        %dma_start3A_433 = tpu.memref_squeeze %dma_start3A_432 : memref<1x72x64xf32, #tpu.memory_space<vmem>> -> memref<72x64xf32, #tpu.memory_space<vmem>>
        %dma_start3A_434 = arith.constant 128 : i32
        %dma_start3A_435 = tpu.memref_slice %arg5[%dma_start3A_428, %dma_start3A_434] : memref<4x200xi32, #tpu.memory_space<vmem>> -> memref<1x72xi32, #tpu.memory_space<vmem>>
        %dma_start3A_436 = tpu.memref_squeeze %dma_start3A_435 : memref<1x72xi32, #tpu.memory_space<vmem>> -> memref<72xi32, #tpu.memory_space<vmem>>
        %dma_start3A_437 = arith.constant 0 : i32
        %dma_start3A_438 = arith.constant 0 : i32
        %dma_start3A_439 = tpu.memref_slice %arg3[%dma_start3A_437, %dma_start3A_438] : memref<1000000x64xf32, #tpu.memory_space<hbm>> -> memref<1000000x64xf32, #tpu.memory_space<hbm>>
        tpu.enqueue_indirect_dma source(%dma_start3A_439 : memref<1000000x64xf32, #tpu.memory_space<hbm>>) target(%dma_start3A_433 : memref<72x64xf32, #tpu.memory_space<vmem>>) offsets(%dma_start3A_436 : memref<72xi32, #tpu.memory_space<vmem>>) semaphore(%arg11 : memref<!tpu.dma_semaphore, #tpu.memory_space<semaphore_mem>>)
        %dma_start3A_440 = arith.constant 2 : i32
        %dma_start3A_441 = arith.constant 2 : i32
        %dma_start3A_442 = arith.constant 0 : i32
        %dma_start3A_443 = arith.constant 0 : i32
        %dma_start3A_444 = tpu.memref_slice %arg7[%dma_start3A_441, %dma_start3A_442, %dma_start3A_443] : memref<4x200x64xf32, #tpu.memory_space<vmem>> -> memref<1x128x64xf32, #tpu.memory_space<vmem>>
        %dma_start3A_445 = tpu.memref_squeeze %dma_start3A_444 : memref<1x128x64xf32, #tpu.memory_space<vmem>> -> memref<128x64xf32, #tpu.memory_space<vmem>>
        %dma_start3A_446 = arith.constant 0 : i32
        %dma_start3A_447 = tpu.memref_slice %arg5[%dma_start3A_440, %dma_start3A_446] : memref<4x200xi32, #tpu.memory_space<vmem>> -> memref<1x128xi32, #tpu.memory_space<vmem>>
        %dma_start3A_448 = tpu.memref_squeeze %dma_start3A_447 : memref<1x128xi32, #tpu.memory_space<vmem>> -> memref<128xi32, #tpu.memory_space<vmem>>
        %dma_start3A_449 = arith.constant 0 : i32
        %dma_start3A_450 = arith.constant 0 : i32
        %dma_start3A_451 = tpu.memref_slice %arg3[%dma_start3A_449, %dma_start3A_450] : memref<1000000x64xf32, #tpu.memory_space<hbm>> -> memref<1000000x64xf32, #tpu.memory_space<hbm>>
        tpu.enqueue_indirect_dma source(%dma_start3A_451 : memref<1000000x64xf32, #tpu.memory_space<hbm>>) target(%dma_start3A_445 : memref<128x64xf32, #tpu.memory_space<vmem>>) offsets(%dma_start3A_448 : memref<128xi32, #tpu.memory_space<vmem>>) semaphore(%arg11 : memref<!tpu.dma_semaphore, #tpu.memory_space<semaphore_mem>>)
        %dma_start3A_452 = arith.constant 2 : i32
        %dma_start3A_453 = arith.constant 2 : i32
        %dma_start3A_454 = arith.constant 128 : i32
        %dma_start3A_455 = arith.constant 0 : i32
        %dma_start3A_456 = tpu.memref_slice %arg7[%dma_start3A_453, %dma_start3A_454, %dma_start3A_455] : memref<4x200x64xf32, #tpu.memory_space<vmem>> -> memref<1x72x64xf32, #tpu.memory_space<vmem>>
        %dma_start3A_457 = tpu.memref_squeeze %dma_start3A_456 : memref<1x72x64xf32, #tpu.memory_space<vmem>> -> memref<72x64xf32, #tpu.memory_space<vmem>>
        %dma_start3A_458 = arith.constant 128 : i32
        %dma_start3A_459 = tpu.memref_slice %arg5[%dma_start3A_452, %dma_start3A_458] : memref<4x200xi32, #tpu.memory_space<vmem>> -> memref<1x72xi32, #tpu.memory_space<vmem>>
        %dma_start3A_460 = tpu.memref_squeeze %dma_start3A_459 : memref<1x72xi32, #tpu.memory_space<vmem>> -> memref<72xi32, #tpu.memory_space<vmem>>
        %dma_start3A_461 = arith.constant 0 : i32
        %dma_start3A_462 = arith.constant 0 : i32
        %dma_start3A_463 = tpu.memref_slice %arg3[%dma_start3A_461, %dma_start3A_462] : memref<1000000x64xf32, #tpu.memory_space<hbm>> -> memref<1000000x64xf32, #tpu.memory_space<hbm>>
        tpu.enqueue_indirect_dma source(%dma_start3A_463 : memref<1000000x64xf32, #tpu.memory_space<hbm>>) target(%dma_start3A_457 : memref<72x64xf32, #tpu.memory_space<vmem>>) offsets(%dma_start3A_460 : memref<72xi32, #tpu.memory_space<vmem>>) semaphore(%arg11 : memref<!tpu.dma_semaphore, #tpu.memory_space<semaphore_mem>>)
        %dma_start3A_464 = arith.constant 3 : i32
        %dma_start3A_465 = arith.constant 3 : i32
        %dma_start3A_466 = arith.constant 0 : i32
        %dma_start3A_467 = arith.constant 0 : i32
        %dma_start3A_468 = tpu.memref_slice %arg7[%dma_start3A_465, %dma_start3A_466, %dma_start3A_467] : memref<4x200x64xf32, #tpu.memory_space<vmem>> -> memref<1x128x64xf32, #tpu.memory_space<vmem>>
        %dma_start3A_469 = tpu.memref_squeeze %dma_start3A_468 : memref<1x128x64xf32, #tpu.memory_space<vmem>> -> memref<128x64xf32, #tpu.memory_space<vmem>>
        %dma_start3A_470 = arith.constant 0 : i32
        %dma_start3A_471 = tpu.memref_slice %arg5[%dma_start3A_464, %dma_start3A_470] : memref<4x200xi32, #tpu.memory_space<vmem>> -> memref<1x128xi32, #tpu.memory_space<vmem>>
        %dma_start3A_472 = tpu.memref_squeeze %dma_start3A_471 : memref<1x128xi32, #tpu.memory_space<vmem>> -> memref<128xi32, #tpu.memory_space<vmem>>
        %dma_start3A_473 = arith.constant 0 : i32
        %dma_start3A_474 = arith.constant 0 : i32
        %dma_start3A_475 = tpu.memref_slice %arg3[%dma_start3A_473, %dma_start3A_474] : memref<1000000x64xf32, #tpu.memory_space<hbm>> -> memref<1000000x64xf32, #tpu.memory_space<hbm>>
        tpu.enqueue_indirect_dma source(%dma_start3A_475 : memref<1000000x64xf32, #tpu.memory_space<hbm>>) target(%dma_start3A_469 : memref<128x64xf32, #tpu.memory_space<vmem>>) offsets(%dma_start3A_472 : memref<128xi32, #tpu.memory_space<vmem>>) semaphore(%arg11 : memref<!tpu.dma_semaphore, #tpu.memory_space<semaphore_mem>>)
        %dma_start3A_476 = arith.constant 3 : i32
        %dma_start3A_477 = arith.constant 3 : i32
        %dma_start3A_478 = arith.constant 128 : i32
        %dma_start3A_479 = arith.constant 0 : i32
        %dma_start3A_480 = tpu.memref_slice %arg7[%dma_start3A_477, %dma_start3A_478, %dma_start3A_479] : memref<4x200x64xf32, #tpu.memory_space<vmem>> -> memref<1x72x64xf32, #tpu.memory_space<vmem>>
        %dma_start3A_481 = tpu.memref_squeeze %dma_start3A_480 : memref<1x72x64xf32, #tpu.memory_space<vmem>> -> memref<72x64xf32, #tpu.memory_space<vmem>>
        %dma_start3A_482 = arith.constant 128 : i32
        %dma_start3A_483 = tpu.memref_slice %arg5[%dma_start3A_476, %dma_start3A_482] : memref<4x200xi32, #tpu.memory_space<vmem>> -> memref<1x72xi32, #tpu.memory_space<vmem>>
        %dma_start3A_484 = tpu.memref_squeeze %dma_start3A_483 : memref<1x72xi32, #tpu.memory_space<vmem>> -> memref<72xi32, #tpu.memory_space<vmem>>
        %dma_start3A_485 = arith.constant 0 : i32
        %dma_start3A_486 = arith.constant 0 : i32
        %dma_start3A_487 = tpu.memref_slice %arg3[%dma_start3A_485, %dma_start3A_486] : memref<1000000x64xf32, #tpu.memory_space<hbm>> -> memref<1000000x64xf32, #tpu.memory_space<hbm>>
        tpu.enqueue_indirect_dma source(%dma_start3A_487 : memref<1000000x64xf32, #tpu.memory_space<hbm>>) target(%dma_start3A_481 : memref<72x64xf32, #tpu.memory_space<vmem>>) offsets(%dma_start3A_484 : memref<72xi32, #tpu.memory_space<vmem>>) semaphore(%arg11 : memref<!tpu.dma_semaphore, #tpu.memory_space<semaphore_mem>>)
      } else {
      }
      %dma_wait3A_267 = arith.constant 0 : i32
      %dma_wait3A_268 = arith.constant 0 : i32
      %dma_wait3A_269 = arith.constant 0 : i32
      %dma_wait3A_270 = arith.constant 0 : i32
      %dma_wait3A_271 = tpu.memref_slice %arg8[%dma_wait3A_268, %dma_wait3A_269, %dma_wait3A_270] : memref<4x200x64xf32, #tpu.memory_space<vmem>> -> memref<1x128x64xf32, #tpu.memory_space<vmem>>
      %dma_wait3A_272 = tpu.memref_squeeze %dma_wait3A_271 : memref<1x128x64xf32, #tpu.memory_space<vmem>> -> memref<128x64xf32, #tpu.memory_space<vmem>>
      %dma_wait3A_273 = arith.constant 0 : i32
      %dma_wait3A_274 = tpu.memref_slice %arg6[%dma_wait3A_267, %dma_wait3A_273] : memref<4x200xi32, #tpu.memory_space<vmem>> -> memref<1x128xi32, #tpu.memory_space<vmem>>
      %dma_wait3A_275 = tpu.memref_squeeze %dma_wait3A_274 : memref<1x128xi32, #tpu.memory_space<vmem>> -> memref<128xi32, #tpu.memory_space<vmem>>
      %dma_wait3A_276 = arith.constant 0 : i32
      %dma_wait3A_277 = arith.constant 0 : i32
      %dma_wait3A_278 = tpu.memref_slice %arg3[%dma_wait3A_276, %dma_wait3A_277] : memref<1000000x64xf32, #tpu.memory_space<hbm>> -> memref<1000000x64xf32, #tpu.memory_space<hbm>>
      tpu.wait_indirect_dma semaphore(%arg12 : memref<!tpu.dma_semaphore, #tpu.memory_space<semaphore_mem>>) src(%dma_wait3A_278 : memref<1000000x64xf32, #tpu.memory_space<hbm>>) dst(%dma_wait3A_272 : memref<128x64xf32, #tpu.memory_space<vmem>>)
      %dma_wait3A_279 = arith.constant 0 : i32
      %dma_wait3A_280 = arith.constant 0 : i32
      %dma_wait3A_281 = arith.constant 128 : i32
      %dma_wait3A_282 = arith.constant 0 : i32
      %dma_wait3A_283 = tpu.memref_slice %arg8[%dma_wait3A_280, %dma_wait3A_281, %dma_wait3A_282] : memref<4x200x64xf32, #tpu.memory_space<vmem>> -> memref<1x72x64xf32, #tpu.memory_space<vmem>>
      %dma_wait3A_284 = tpu.memref_squeeze %dma_wait3A_283 : memref<1x72x64xf32, #tpu.memory_space<vmem>> -> memref<72x64xf32, #tpu.memory_space<vmem>>
      %dma_wait3A_285 = arith.constant 128 : i32
      %dma_wait3A_286 = tpu.memref_slice %arg6[%dma_wait3A_279, %dma_wait3A_285] : memref<4x200xi32, #tpu.memory_space<vmem>> -> memref<1x72xi32, #tpu.memory_space<vmem>>
      %dma_wait3A_287 = tpu.memref_squeeze %dma_wait3A_286 : memref<1x72xi32, #tpu.memory_space<vmem>> -> memref<72xi32, #tpu.memory_space<vmem>>
      %dma_wait3A_288 = arith.constant 0 : i32
      %dma_wait3A_289 = arith.constant 0 : i32
      %dma_wait3A_290 = tpu.memref_slice %arg3[%dma_wait3A_288, %dma_wait3A_289] : memref<1000000x64xf32, #tpu.memory_space<hbm>> -> memref<1000000x64xf32, #tpu.memory_space<hbm>>
      tpu.wait_indirect_dma semaphore(%arg12 : memref<!tpu.dma_semaphore, #tpu.memory_space<semaphore_mem>>) src(%dma_wait3A_290 : memref<1000000x64xf32, #tpu.memory_space<hbm>>) dst(%dma_wait3A_284 : memref<72x64xf32, #tpu.memory_space<vmem>>)
      %dma_wait3A_291 = arith.constant 1 : i32
      %dma_wait3A_292 = arith.constant 1 : i32
      %dma_wait3A_293 = arith.constant 0 : i32
      %dma_wait3A_294 = arith.constant 0 : i32
      %dma_wait3A_295 = tpu.memref_slice %arg8[%dma_wait3A_292, %dma_wait3A_293, %dma_wait3A_294] : memref<4x200x64xf32, #tpu.memory_space<vmem>> -> memref<1x128x64xf32, #tpu.memory_space<vmem>>
      %dma_wait3A_296 = tpu.memref_squeeze %dma_wait3A_295 : memref<1x128x64xf32, #tpu.memory_space<vmem>> -> memref<128x64xf32, #tpu.memory_space<vmem>>
      %dma_wait3A_297 = arith.constant 0 : i32
      %dma_wait3A_298 = tpu.memref_slice %arg6[%dma_wait3A_291, %dma_wait3A_297] : memref<4x200xi32, #tpu.memory_space<vmem>> -> memref<1x128xi32, #tpu.memory_space<vmem>>
      %dma_wait3A_299 = tpu.memref_squeeze %dma_wait3A_298 : memref<1x128xi32, #tpu.memory_space<vmem>> -> memref<128xi32, #tpu.memory_space<vmem>>
      %dma_wait3A_300 = arith.constant 0 : i32
      %dma_wait3A_301 = arith.constant 0 : i32
      %dma_wait3A_302 = tpu.memref_slice %arg3[%dma_wait3A_300, %dma_wait3A_301] : memref<1000000x64xf32, #tpu.memory_space<hbm>> -> memref<1000000x64xf32, #tpu.memory_space<hbm>>
      tpu.wait_indirect_dma semaphore(%arg12 : memref<!tpu.dma_semaphore, #tpu.memory_space<semaphore_mem>>) src(%dma_wait3A_302 : memref<1000000x64xf32, #tpu.memory_space<hbm>>) dst(%dma_wait3A_296 : memref<128x64xf32, #tpu.memory_space<vmem>>)
      %dma_wait3A_303 = arith.constant 1 : i32
      %dma_wait3A_304 = arith.constant 1 : i32
      %dma_wait3A_305 = arith.constant 128 : i32
      %dma_wait3A_306 = arith.constant 0 : i32
      %dma_wait3A_307 = tpu.memref_slice %arg8[%dma_wait3A_304, %dma_wait3A_305, %dma_wait3A_306] : memref<4x200x64xf32, #tpu.memory_space<vmem>> -> memref<1x72x64xf32, #tpu.memory_space<vmem>>
      %dma_wait3A_308 = tpu.memref_squeeze %dma_wait3A_307 : memref<1x72x64xf32, #tpu.memory_space<vmem>> -> memref<72x64xf32, #tpu.memory_space<vmem>>
      %dma_wait3A_309 = arith.constant 128 : i32
      %dma_wait3A_310 = tpu.memref_slice %arg6[%dma_wait3A_303, %dma_wait3A_309] : memref<4x200xi32, #tpu.memory_space<vmem>> -> memref<1x72xi32, #tpu.memory_space<vmem>>
      %dma_wait3A_311 = tpu.memref_squeeze %dma_wait3A_310 : memref<1x72xi32, #tpu.memory_space<vmem>> -> memref<72xi32, #tpu.memory_space<vmem>>
      %dma_wait3A_312 = arith.constant 0 : i32
      %dma_wait3A_313 = arith.constant 0 : i32
      %dma_wait3A_314 = tpu.memref_slice %arg3[%dma_wait3A_312, %dma_wait3A_313] : memref<1000000x64xf32, #tpu.memory_space<hbm>> -> memref<1000000x64xf32, #tpu.memory_space<hbm>>
      tpu.wait_indirect_dma semaphore(%arg12 : memref<!tpu.dma_semaphore, #tpu.memory_space<semaphore_mem>>) src(%dma_wait3A_314 : memref<1000000x64xf32, #tpu.memory_space<hbm>>) dst(%dma_wait3A_308 : memref<72x64xf32, #tpu.memory_space<vmem>>)
      %dma_wait3A_315 = arith.constant 2 : i32
      %dma_wait3A_316 = arith.constant 2 : i32
      %dma_wait3A_317 = arith.constant 0 : i32
      %dma_wait3A_318 = arith.constant 0 : i32
      %dma_wait3A_319 = tpu.memref_slice %arg8[%dma_wait3A_316, %dma_wait3A_317, %dma_wait3A_318] : memref<4x200x64xf32, #tpu.memory_space<vmem>> -> memref<1x128x64xf32, #tpu.memory_space<vmem>>
      %dma_wait3A_320 = tpu.memref_squeeze %dma_wait3A_319 : memref<1x128x64xf32, #tpu.memory_space<vmem>> -> memref<128x64xf32, #tpu.memory_space<vmem>>
      %dma_wait3A_321 = arith.constant 0 : i32
      %dma_wait3A_322 = tpu.memref_slice %arg6[%dma_wait3A_315, %dma_wait3A_321] : memref<4x200xi32, #tpu.memory_space<vmem>> -> memref<1x128xi32, #tpu.memory_space<vmem>>
      %dma_wait3A_323 = tpu.memref_squeeze %dma_wait3A_322 : memref<1x128xi32, #tpu.memory_space<vmem>> -> memref<128xi32, #tpu.memory_space<vmem>>
      %dma_wait3A_324 = arith.constant 0 : i32
      %dma_wait3A_325 = arith.constant 0 : i32
      %dma_wait3A_326 = tpu.memref_slice %arg3[%dma_wait3A_324, %dma_wait3A_325] : memref<1000000x64xf32, #tpu.memory_space<hbm>> -> memref<1000000x64xf32, #tpu.memory_space<hbm>>
      tpu.wait_indirect_dma semaphore(%arg12 : memref<!tpu.dma_semaphore, #tpu.memory_space<semaphore_mem>>) src(%dma_wait3A_326 : memref<1000000x64xf32, #tpu.memory_space<hbm>>) dst(%dma_wait3A_320 : memref<128x64xf32, #tpu.memory_space<vmem>>)
      %dma_wait3A_327 = arith.constant 2 : i32
      %dma_wait3A_328 = arith.constant 2 : i32
      %dma_wait3A_329 = arith.constant 128 : i32
      %dma_wait3A_330 = arith.constant 0 : i32
      %dma_wait3A_331 = tpu.memref_slice %arg8[%dma_wait3A_328, %dma_wait3A_329, %dma_wait3A_330] : memref<4x200x64xf32, #tpu.memory_space<vmem>> -> memref<1x72x64xf32, #tpu.memory_space<vmem>>
      %dma_wait3A_332 = tpu.memref_squeeze %dma_wait3A_331 : memref<1x72x64xf32, #tpu.memory_space<vmem>> -> memref<72x64xf32, #tpu.memory_space<vmem>>
      %dma_wait3A_333 = arith.constant 128 : i32
      %dma_wait3A_334 = tpu.memref_slice %arg6[%dma_wait3A_327, %dma_wait3A_333] : memref<4x200xi32, #tpu.memory_space<vmem>> -> memref<1x72xi32, #tpu.memory_space<vmem>>
      %dma_wait3A_335 = tpu.memref_squeeze %dma_wait3A_334 : memref<1x72xi32, #tpu.memory_space<vmem>> -> memref<72xi32, #tpu.memory_space<vmem>>
      %dma_wait3A_336 = arith.constant 0 : i32
      %dma_wait3A_337 = arith.constant 0 : i32
      %dma_wait3A_338 = tpu.memref_slice %arg3[%dma_wait3A_336, %dma_wait3A_337] : memref<1000000x64xf32, #tpu.memory_space<hbm>> -> memref<1000000x64xf32, #tpu.memory_space<hbm>>
      tpu.wait_indirect_dma semaphore(%arg12 : memref<!tpu.dma_semaphore, #tpu.memory_space<semaphore_mem>>) src(%dma_wait3A_338 : memref<1000000x64xf32, #tpu.memory_space<hbm>>) dst(%dma_wait3A_332 : memref<72x64xf32, #tpu.memory_space<vmem>>)
      %dma_wait3A_339 = arith.constant 3 : i32
      %dma_wait3A_340 = arith.constant 3 : i32
      %dma_wait3A_341 = arith.constant 0 : i32
      %dma_wait3A_342 = arith.constant 0 : i32
      %dma_wait3A_343 = tpu.memref_slice %arg8[%dma_wait3A_340, %dma_wait3A_341, %dma_wait3A_342] : memref<4x200x64xf32, #tpu.memory_space<vmem>> -> memref<1x128x64xf32, #tpu.memory_space<vmem>>
      %dma_wait3A_344 = tpu.memref_squeeze %dma_wait3A_343 : memref<1x128x64xf32, #tpu.memory_space<vmem>> -> memref<128x64xf32, #tpu.memory_space<vmem>>
      %dma_wait3A_345 = arith.constant 0 : i32
      %dma_wait3A_346 = tpu.memref_slice %arg6[%dma_wait3A_339, %dma_wait3A_345] : memref<4x200xi32, #tpu.memory_space<vmem>> -> memref<1x128xi32, #tpu.memory_space<vmem>>
      %dma_wait3A_347 = tpu.memref_squeeze %dma_wait3A_346 : memref<1x128xi32, #tpu.memory_space<vmem>> -> memref<128xi32, #tpu.memory_space<vmem>>
      %dma_wait3A_348 = arith.constant 0 : i32
      %dma_wait3A_349 = arith.constant 0 : i32
      %dma_wait3A_350 = tpu.memref_slice %arg3[%dma_wait3A_348, %dma_wait3A_349] : memref<1000000x64xf32, #tpu.memory_space<hbm>> -> memref<1000000x64xf32, #tpu.memory_space<hbm>>
      tpu.wait_indirect_dma semaphore(%arg12 : memref<!tpu.dma_semaphore, #tpu.memory_space<semaphore_mem>>) src(%dma_wait3A_350 : memref<1000000x64xf32, #tpu.memory_space<hbm>>) dst(%dma_wait3A_344 : memref<128x64xf32, #tpu.memory_space<vmem>>)
      %dma_wait3A_351 = arith.constant 3 : i32
      %dma_wait3A_352 = arith.constant 3 : i32
      %dma_wait3A_353 = arith.constant 128 : i32
      %dma_wait3A_354 = arith.constant 0 : i32
      %dma_wait3A_355 = tpu.memref_slice %arg8[%dma_wait3A_352, %dma_wait3A_353, %dma_wait3A_354] : memref<4x200x64xf32, #tpu.memory_space<vmem>> -> memref<1x72x64xf32, #tpu.memory_space<vmem>>
      %dma_wait3A_356 = tpu.memref_squeeze %dma_wait3A_355 : memref<1x72x64xf32, #tpu.memory_space<vmem>> -> memref<72x64xf32, #tpu.memory_space<vmem>>
      %dma_wait3A_357 = arith.constant 128 : i32
      %dma_wait3A_358 = tpu.memref_slice %arg6[%dma_wait3A_351, %dma_wait3A_357] : memref<4x200xi32, #tpu.memory_space<vmem>> -> memref<1x72xi32, #tpu.memory_space<vmem>>
      %dma_wait3A_359 = tpu.memref_squeeze %dma_wait3A_358 : memref<1x72xi32, #tpu.memory_space<vmem>> -> memref<72xi32, #tpu.memory_space<vmem>>
      %dma_wait3A_360 = arith.constant 0 : i32
      %dma_wait3A_361 = arith.constant 0 : i32
      %dma_wait3A_362 = tpu.memref_slice %arg3[%dma_wait3A_360, %dma_wait3A_361] : memref<1000000x64xf32, #tpu.memory_space<hbm>> -> memref<1000000x64xf32, #tpu.memory_space<hbm>>
      tpu.wait_indirect_dma semaphore(%arg12 : memref<!tpu.dma_semaphore, #tpu.memory_space<semaphore_mem>>) src(%dma_wait3A_362 : memref<1000000x64xf32, #tpu.memory_space<hbm>>) dst(%dma_wait3A_356 : memref<72x64xf32, #tpu.memory_space<vmem>>)
      %mul3A_363 = arith.constant 4 : i32
      %mul3A_364 = arith.muli %add3A_259, %mul3A_363 : i32
      %add3A_365 = arith.addi %mul3A_2, %mul3A_364 : i32
      %dma_start3A_366 = arith.constant 0 : i32
      %dma_start3A_367 = arith.constant 0 : i32
      %dma_start3A_368 = tpu.memref_slice %arg4[%add3A_365, %dma_start3A_366, %dma_start3A_367] : memref<4096x200x128xf32, #tpu.memory_space<hbm>> -> memref<4x200x64xf32, #tpu.memory_space<hbm>>
      %dma_start3A_369 = arith.constant 0 : i32
      %dma_start3A_370 = arith.constant 0 : i32
      %dma_start3A_371 = tpu.memref_slice %arg4[%add3A_365, %dma_start3A_369, %dma_start3A_370] : memref<4096x200x128xf32, #tpu.memory_space<hbm>> -> memref<4x200x64xf32, #tpu.memory_space<hbm>>
      tpu.enqueue_dma source(%arg8 : memref<4x200x64xf32, #tpu.memory_space<vmem>>) target(%dma_start3A_371 : memref<4x200x64xf32, #tpu.memory_space<hbm>>) target_semaphore(%arg14 : memref<!tpu.dma_semaphore, #tpu.memory_space<semaphore_mem>>)
      %add3A_372 = arith.constant 2 : i32
      %add3A_373 = arith.addi %add3A_259, %add3A_372 : i32
      %lt3A_374 = arith.constant 32 : i32
      %lt3A_375 = arith.cmpi slt, %add3A_373, %lt3A_374 : i32
      %convert_element_type3A_376 = arith.extui %lt3A_375 : i1 to i32
      %cond3A_377 = arith.constant 0 : i32
      %cond3A_378 = arith.cmpi ne, %convert_element_type3A_376, %cond3A_377 : i32
      scf.if %cond3A_378 {
        %add3A_379 = arith.constant 2 : i32
        %add3A_380 = arith.addi %add3A_259, %add3A_379 : i32
        %mul3A_381 = arith.constant 4 : i32
        %mul3A_382 = arith.muli %add3A_380, %mul3A_381 : i32
        %add3A_383 = arith.addi %mul3A_2, %mul3A_382 : i32
        %dma_start3A_384 = arith.constant 0 : i32
        %dma_start3A_385 = tpu.memref_slice %arg2[%add3A_383, %dma_start3A_384] : memref<4096x200xi32, #tpu.memory_space<hbm>> -> memref<4x200xi32, #tpu.memory_space<hbm>>
        %dma_start3A_386 = arith.constant 0 : i32
        %dma_start3A_387 = tpu.memref_slice %arg2[%add3A_383, %dma_start3A_386] : memref<4096x200xi32, #tpu.memory_space<hbm>> -> memref<4x200xi32, #tpu.memory_space<hbm>>
        tpu.enqueue_dma source(%dma_start3A_387 : memref<4x200xi32, #tpu.memory_space<hbm>>) target(%arg6 : memref<4x200xi32, #tpu.memory_space<vmem>>) target_semaphore(%arg10 : memref<!tpu.dma_semaphore, #tpu.memory_space<semaphore_mem>>)
      } else {
      }
    }
    %scan3A_118 = arith.constant 16 : i32
    %add3A_119 = arith.constant 120 : i32
    %add3A_120 = arith.addi %mul3A_2, %add3A_119 : i32
    %dma_wait3A_121 = arith.constant 0 : i32
    %dma_wait3A_122 = arith.constant 0 : i32
    %dma_wait3A_123 = tpu.memref_slice %arg4[%add3A_120, %dma_wait3A_121, %dma_wait3A_122] : memref<4096x200x128xf32, #tpu.memory_space<hbm>> -> memref<4x200x64xf32, #tpu.memory_space<hbm>>
    %dma_wait3A_124 = arith.constant 0 : i32
    %dma_wait3A_125 = arith.constant 0 : i32
    %dma_wait3A_126 = tpu.memref_slice %arg4[%add3A_120, %dma_wait3A_124, %dma_wait3A_125] : memref<4096x200x128xf32, #tpu.memory_space<hbm>> -> memref<4x200x64xf32, #tpu.memory_space<hbm>>
    tpu.wait_dma2 semaphore(%arg13 : memref<!tpu.dma_semaphore, #tpu.memory_space<semaphore_mem>>) src(%arg7 : memref<4x200x64xf32, #tpu.memory_space<vmem>>) dst(%dma_wait3A_126 : memref<4x200x64xf32, #tpu.memory_space<hbm>>)
    %add3A_127 = arith.constant 124 : i32
    %add3A_128 = arith.addi %mul3A_2, %add3A_127 : i32
    %dma_wait3A_129 = arith.constant 0 : i32
    %dma_wait3A_130 = arith.constant 0 : i32
    %dma_wait3A_131 = tpu.memref_slice %arg4[%add3A_128, %dma_wait3A_129, %dma_wait3A_130] : memref<4096x200x128xf32, #tpu.memory_space<hbm>> -> memref<4x200x64xf32, #tpu.memory_space<hbm>>
    %dma_wait3A_132 = arith.constant 0 : i32
    %dma_wait3A_133 = arith.constant 0 : i32
    %dma_wait3A_134 = tpu.memref_slice %arg4[%add3A_128, %dma_wait3A_132, %dma_wait3A_133] : memref<4096x200x128xf32, #tpu.memory_space<hbm>> -> memref<4x200x64xf32, #tpu.memory_space<hbm>>
    tpu.wait_dma2 semaphore(%arg14 : memref<!tpu.dma_semaphore, #tpu.memory_space<semaphore_mem>>) src(%arg8 : memref<4x200x64xf32, #tpu.memory_space<vmem>>) dst(%dma_wait3A_134 : memref<4x200x64xf32, #tpu.memory_space<hbm>>)
    return
  }
}

</mosaic_0001>

<sc_bundles>
// kernel: kernel.3.cloned.1.call-start
scs
__scs_entry_jumppad:
0x0: {  	(pc) =	sbr.rel $0x88, $3  }
0x1: {  	(tag) =	ssettag $0x0;
	lr =	simm.s32 $0x1  }
0x2: {  	[smem:$0x3F9F] =	sst lr;
	_ =	strace $0xD0000000  }
0x3: {  	_ = 	snop  }
0x4: {  	_ = 	snop  }
0x5: {  	_ = 	snop  }
0x6: {  	_ = 	snop  }
0x7: {  	_ = 	snop  }
__scs_overlays_trampoline_lowered:
0x8: {  	[smem:$0x3FAE] =	sst s0  }
0x9: {  	[smem:$0x3FAF] =	sst s1  }
0xa: {  	[smem:$0x3FB0] =	sst s2  }
0xb: {  	[smem:$0x3FB1] =	sst s3  }
0xc: {  	[smem:$0x3FB2] =	sst s4  }
0xd: {  	[smem:$0x3FB3] =	sst s5  }
0xe: {  	[smem:$0x3FB4] =	sst s6  }
0xf: {  	[smem:$0x3FB5] =	sst s7  }
0x10: {  	[smem:$0x3FB6] =	sst s8  }
0x11: {  	[smem:$0x3FB7] =	sst s9;
	s0 =	simm.s32 @!p0 $0x0  }
0x12: {  	s1 =	sld [smem:$0x3F9D];
	s0 =	simm.s32 @p0 $0x1  }
0x13: {  	[smem:$0x3FB8] =	sst s0;
	s0 =	simm.s32 @!p1 $0x0  }
0x14: {  	s2 =	sld [smem:$0x3F9C];
	s0 =	simm.s32 @p1 $0x1  }
0x15: {  	[smem:$0x3FB9] =	sst s0;
	s0 =	simm.s32 @!p2 $0x0  }
0x16: {  	s3 =	sld [smem:$0x3FDB];
	s0 =	simm.s32 @p2 $0x1  }
0x17: {  	s4 =	simm.s32 $0x1BF5;
	[smem:$0x3FBB] =	sst s0  }
0x18: {  	s0 =	sld [smem:$0x3F9E];
	_ =	swait.ge [sflag:s4], $0x0  }
0x19: {  	s7 =	sld [smem:$0x3F9F]  }
0x1a: {  	s8 =	sadd.s32 $0xFFFFE003, lr  }
0x1b: {  	s9 =	sadd.s32 $0xFFFFFEF7, lr;
	s5 =	simm.s32 $0xFFFFFFFF;
	p2 =	slt.u32 s8, $0xFFFFF086  }
0x1c: {  	p1 =	slt.u32 s9, $0xF7A;
	s5 =	simm.s32 @!p2 $0x0  }
0x1d: {  	s5 =	simm.s32 @p1 $0x1;
	p0 =	seq.s32 s7, s2  }
0x1e: {  	s7 =	smul.u32 @!p0 $0xF7A, s2;
	p2 =	seq.s32 @!p0 s5, $0x0  }
0x1f: {  	s9 =	smul.u32 $0xF7A, s1;
	s8 =	simm.s32 @!p0 $0x1BF5;
	p2 =	por !p2, p0  }
0x20: {  	[sflag:s8] =	ssyncset.s32 @!p0 $0xFFFFF086;
	s6 =	sadd.s32 @!p0 s3, s7;
	s7 =	simm.s32 @!p0 $0x108  }
0x21: {  	s3 =	sadd.s32 s3, s9;
	s6 =	sadd.s32 @!p0 $0x88, s6;
	s7 =	simm.s32 @p2 $0x1082  }
0x22: {  	[simem:s7], [sflag:s8] =	dma.local @!p0 [hbm:s6], $0xF7A  }
0x23: {  	s9 =	sor.u32 $0xD0000000, s2;
	s6 =	simm.s32 $0x108;
	_ =	swait.ge @!p0 [sflag:s8], $0x0  }
0x24: {  	s3 =	sadd.s32 $0x88, s3;
	s6 =	simm.s32 @!p1 $0x1082;
	[sflag:s4] =	ssyncset.s32 $0xFFFFF086  }
0x25: {  	[simem:s6], [sflag:s4] =	dma.local [hbm:s3], $0xF7A  }
0x26: {  	[smem:$0x3F9F] =	sst s1;
	(tag) =	ssettag s2;
	_ =	strace s9  }
0x27: {  	s1 =	sld [smem:$0x3FAF]  }
0x28: {  	s2 =	sld [smem:$0x3FB0]  }
0x29: {  	s4 =	sld [smem:$0x3FB2]  }
0x2a: {  	p0 =	seq.s32 s5, $0x0;
	s5 =	sld [smem:$0x3FB3]  }
0x2b: {  	s6 =	sld [smem:$0x3FB4]  }
0x2c: {  	s7 =	sld [smem:$0x3FB5]  }
0x2d: {  	s3 =	simm.s32 $0x108;
	s8 =	sld [smem:$0x3FB6]  }
0x2e: {  	s3 =	simm.s32 @!p0 $0x1082;
	s9 =	sld [smem:$0x3FB7]  }
0x2f: {  	lr =	sadd.s32 s0, s3;
	s0 =	sld [smem:$0x3FAE]  }
0x30: {  	s3 =	sld [smem:$0x3FB1]  }
0x31: {  	[smem:$0x3FBA] =	sst s10  }
0x32: {  	s10 =	sld [smem:$0x3FB8];
	_ =	sdelay $0x3  }
0x33: {  	p0 =	seq.s32 s10, $0x1;
	s10 =	sld [smem:$0x3FBA];
	_ =	sdelay $0x3  }
0x34: {  	[smem:$0x3FBA] =	sst s10  }
0x35: {  	s10 =	sld [smem:$0x3FB9];
	_ =	sdelay $0x3  }
0x36: {  	p1 =	seq.s32 s10, $0x1;
	s10 =	sld [smem:$0x3FBA];
	_ =	sdelay $0x3  }
0x37: {  	[smem:$0x3FBA] =	sst s10  }
0x38: {  	s10 =	sld [smem:$0x3FBB]  }
0x39: {  	_ = 	snop;
	(pc) =	sbr.ind lr, $3  }
0x3a: {  	_ = 	snop  }
0x3b: {  	_ = 	snop  }
0x3c: {  	p2 =	seq.s32 s10, $0x1;
	s10 =	sld [smem:$0x3FBA]  }
0x3d: {  	_ =	shalt  }
0x3e: {  	_ =	shalt  }
0x3f: {  	_ =	shalt  }
0x40: {  	_ =	shalt  }
0x41: {  	_ =	shalt  }
0x42: {  	_ =	shalt  }
0x43: {  	_ =	shalt  }
0x44: {  	_ =	shalt  }
0x45: {  	_ =	shalt  }
0x46: {  	_ =	shalt  }
0x47: {  	_ =	shalt  }
0x48: {  	_ =	shalt  }
0x49: {  	_ =	shalt  }
0x4a: {  	_ =	shalt  }
0x4b: {  	_ =	shalt  }
0x4c: {  	_ =	shalt  }
0x4d: {  	_ =	shalt  }
0x4e: {  	_ =	shalt  }
0x4f: {  	_ =	shalt  }
0x50: {  	_ =	shalt  }
0x51: {  	_ =	shalt  }
0x52: {  	_ =	shalt  }
0x53: {  	_ =	shalt  }
0x54: {  	_ =	shalt  }
0x55: {  	_ =	shalt  }
0x56: {  	_ =	shalt  }
0x57: {  	_ =	shalt  }
0x58: {  	_ =	shalt  }
0x59: {  	_ =	shalt  }
0x5a: {  	_ =	shalt  }
0x5b: {  	_ =	shalt  }
0x5c: {  	_ =	shalt  }
0x5d: {  	_ =	shalt  }
0x5e: {  	_ =	shalt  }
0x5f: {  	_ =	shalt  }
0x60: {  	_ =	shalt  }
0x61: {  	_ =	shalt  }
0x62: {  	_ =	shalt  }
0x63: {  	_ =	shalt  }
0x64: {  	_ =	shalt  }
0x65: {  	_ =	shalt  }
0x66: {  	_ =	shalt  }
0x67: {  	_ =	shalt  }
0x68: {  	_ =	shalt  }
0x69: {  	_ =	shalt  }
0x6a: {  	_ =	shalt  }
0x6b: {  	_ =	shalt  }
0x6c: {  	_ =	shalt  }
0x6d: {  	_ =	shalt  }
0x6e: {  	_ =	shalt  }
0x6f: {  	_ =	shalt  }
0x70: {  	_ =	shalt  }
0x71: {  	_ =	shalt  }
0x72: {  	_ =	shalt  }
0x73: {  	_ =	shalt  }
0x74: {  	_ =	shalt  }
0x75: {  	_ =	shalt  }
0x76: {  	_ =	shalt  }
0x77: {  	_ =	shalt  }
0x78: {  	_ =	shalt  }
0x79: {  	_ =	shalt  }
0x7a: {  	_ =	shalt  }
0x7b: {  	_ =	shalt  }
0x7c: {  	_ =	shalt  }
0x7d: {  	_ =	shalt  }
0x7e: {  	_ =	shalt  }
0x7f: {  	_ =	shalt  }
0x80: {  	_ =	shalt  }
0x81: {  	_ =	shalt  }
0x82: {  	_ =	shalt  }
0x83: {  	_ =	shalt  }
0x84: {  	_ =	shalt  }
0x85: {  	_ =	shalt  }
0x86: {  	_ =	shalt  }
0x87: {  	_ =	shalt  }
.Lfunc_end0:
.L_simem_size_0:
called_computation.1_lowered:
.L_overlay_start_0:
0x88: {  	s2 =	sld [smem:$0x3FD9]  }
0x89: {  	s3 =	sld [smem:$0x3FFE];
	_ =	sdelay $0x1  }
0x8a: {  	s1 =	srdreg.scid  }
0x8b: {  	s0 =	sand.u32 $0x1, s1  }
0x8c: {  	s17 =	sshll.u32 s0, $0xA;
	s2 =	sadd.s32 s3, s2  }
0x8d: {  	s2 =	sadd.s32 s2, s17  }
0x8e: {  	[smem:$0x3FC6] =	sst s2  }
0x8f: {  	_ = 	snop  }
0x90: {  	s2 =	sld [smem:$0x3FD0];
	(tm) =	ssettm $0x1  }
0x91: {  	s18 =	sld [smem:$0x3FFB];
	_ =	sdelay $0x3  }
0x92: {  	_ =	strace s18  }
0x93: {  	s3 =	sld [smem:$0x3FFC];
	_ =	sdelay $0x3  }
0x94: {  	_ =	strace s3  }
0x95: {  	s3 =	sld [smem:$0x3FFD];
	_ =	sdelay $0x3  }
0x96: {  	_ =	strace s3  }
0x97: {  	_ =	strace $0x8FFFFFFF  }
0x98: {  	s19 =	sld [smem:$0x3FDB];
	_ =	sdelay $0x1  }
0x99: {  	s4 =	simm.s32 $_scs_section_size  }
0x9a: {  	s5 =	simm.s32 $_size__tile_overlayer_lowered;
	s6 =	simm.s32 $_tile_overlayer_lowered  }
0x9b: {  	s22 =	simm.s32 $0x1BFF;
	s21 =	sshll.u32 s6, $0x1;
	s3 =	sadd.s32 s4, s19  }
0x9c: {  	s7 =	simm.s32 $0x0;
	s20 =	sshll.u32 s5, $0x1;
	s5 =	sadd.s32 s21, s3  }
0x9d: {  	[timem:s7], [sflag:s22] =	dma.local [hbm:s5], s20  }
0x9e: {  	_ =	swait.ge [sflag:s22], s20  }
0x9f: {  	s4 =	ssub.s32 $0x0, s20;
	[sflag:s22] =	ssyncset.done $0x0  }
0xa0: {  	[sflag:s22] =	ssyncadd.s32 s4;
	_ =	sdelay $0x1  }
0xa1: {  	s23 =	simm.s32 $0x1B8B  }
0xa2: {  	_ =	swait.ge [sflag:s23], $0x1  }
0xa3: {  	[sflag:s23] =	ssyncset.done $0x0  }
0xa4: {  	s25 =	simm.s32 $0x1B8E;
	s24 =	sld [smem:$0x3FFE];
	[sflag:s23] =	ssyncadd.s32 $0xFFFFFFFF  }
0xa5: {  	s26 =	simm.s32 $execute0_lowered;
	[smem:$0x3FD2] =	sst s25  }
0xa6: {  	s5 =	sshll.u32 s26, $0x1;
	_ =	strace $0x80000046;
	[dreg:$0x1] =	wrdreg $0xFFFFFFFF  }
0xa7: {  	s28 =	simm.s32 $_size_execute0_lowered;
	s3 =	sadd.s32 s3, s5;
	[dreg:$0x0] =	wrdreg $0x0  }
0xa8: {  	s5 =	sshll.u32 s28, $0x1;
	[dreg:$0x2] =	wrdreg s3  }
0xa9: {  	[dreg:$0x3] =	wrdreg s5  }
0xaa: {  	[dreg:$0x4] =	wrdreg $0xC0  }
0xab: {  	_ =	task [dreg:s7], $0x5FFFF  }
0xac: {  	[dreg:$0x1] =	wrdreg $0xFFFFFFFF  }
0xad: {  	[dreg:$0x0] =	wrdreg $0x60  }
0xae: {  	[dreg:$0x2] =	wrdreg s2  }
0xaf: {  	[dreg:$0x3] =	wrdreg s24  }
0xb0: {  	[dreg:$0x4] =	wrdreg $0x9  }
0xb1: {  	_ =	task.clear_ibuf [dreg:s7], $0x5FFFF;
	_ =	strace $0x90000046  }
0xb2: {  	s29 =	simm.s32 $0x9;
	_ =	strace $0x80000048  }
0xb3: {  	_ =	swait.ge [sflag:s29], $0x1  }
0xb4: {  	[sflag:s29] =	ssyncadd.s32 $0xFFFFFFFF  }
0xb5: {  	_ =	strace $0x90000048  }
0xb6: {  	_ =	sfence  }
0xb7: {  	s30 =	sld [smem:$0x0];
	_ =	sdelay $0x2  }
0xb8: {  	s31 =	sshll.u32 s1, $0xD;
	s1 =	sshrl.u32 s1, $0x2  }
0xb9: {  	s3 =	sand.u32 $0x4000, s31;
	s1 =	sadd.s32 s1, s30  }
0xba: {  	s0 =	sor.u32 s3, s0;
	s1 =	sshll.u32 s1, $0x11  }
0xbb: {  	s0 =	sor.u32 s1, s0  }
0xbc: {  	s0 =	sadd.s32 $0x8F2B, s0  }
0xbd: {  	[sflag:s0] =	ssyncadd.remote.s32 $0x1  }
0xbe: {  	_ =	sfence.sel $0xFFFF  }
0xbf: {  	[dreg:$0x0] =	wrdreg $0xFFFFFFFF;
	(pc) =	sbr.abs _section_cstart, $3  }
0xc0: {  	[dreg:$0x1] =	wrdreg $0xFFFFFFFF  }
0xc1: {  	_ =	task.clear_ibuf [dreg:s7], $0x2FFFF;
	_ =	strace $0x9FFFFFFF  }
0xc2: {  	(tm) =	ssettm $0x7FFFFFFF  }
0xc3: {  	_ =	shalt  }
tec
execute0_lowered:
.L_overlay_start_1:
0x0: {  	(tag) =	ssettag $0x1  }
0x1: {  	s0 =	rddreg [dreg:$0x0]  }
0x2: {  	s1 =	rddreg [dreg:$0x1];
	s3 =	srdreg.scid  }
0x3: {  	s5 =	simm.s32 $0x0;
	s2 =	stileid.u32;
	s10 =	simm.s32 $0x80  }
0x4: {  	s12 =	simm.s32 $0x48;
	s28 =	simm.s32 $0x2;
	s29 =	simm.s32 $0xCE40  }
0x5: {  	s30 =	simm.s32 $0x3A0;
	s31 =	simm.s32 $0xEE40;
	s13 =	simm.s32 $0x468  }
0x6: {  	s14 =	simm.s32 $0x12040;
	s15 =	simm.s32 $0x4B0;
	s16 =	simm.s32 $0x13240  }
0x7: {  	s17 =	simm.s32 $0x530;
	s18 =	simm.s32 $0x15240;
	s19 =	simm.s32 $0x578  }
0x8: {  	s11 =	simm.s32 $0x0;
	s4 =	sand.u32 $0x1, s3;
	s6 =	smul.u32 $0xC8000, s2  }
0x9: {  	[smem:$0x7FF] =	sst s5;
	s20 =	sshll.u32 s2, $0x8;
	s7 =	smul.u32 $0x1900, s2  }
0xa: {  	s3 =	sadd.s32 $0xF42E00, s1;
	s21 =	sshll.u32 s4, $0x7;
	s24 =	smul.u32 $0x64000, s4  }
0xb: {  	_ =	strace $0x80000047;
	s22 =	ssub.s32 $0x2, s4;
	s4 =	smul.u32 $0xC80, s4  }
0xc: {  	s5 =	sor.u32 s21, s20;
	s1 =	sadd.s32 s6, s1;
	s8 =	sshrl.u32 s22, $0x1  }
0xd: {  	s20 =	simm.s32 $0x16440;
	s21 =	simm.s32 $0x5F8;
	s5 =	smul.u32 $0x19, s5  }
0xe: {  	s6 =	ssub.s32 s22, s8;
	s1 =	sadd.s32 s24, s1;
	s22 =	simm.s32 $0x18440  }
0xf: {  	s24 =	simm.s32 $0x40;
	s25 =	smax.u32 s6, $0x1;
	s26 =	sadd.s32 $0xA00, s1  }
.Ltmp0:
0x10: {  	s1 =	simm.s32 $0x10040;
	[dreg:$0x5] =	wrdreg s25;
	(pc) =	sbr.rel .LBB2_1-.Ltmp0, $4  }
0x11: {  	s23 =	sadd.s32 s0, s5;
	s0 =	sadd.s32 s7, s0;
	[dreg:$0x6] =	wrdreg s26  }
0x12: {  	s26 =	simm.s32 $0x320;
	s25 =	simm.s32 $0x4;
	s5 =	simm.s32 $0x0  }
0x13: {  	[dreg:$0x3] =	wrdreg s23;
	s2 =	sadd.s32 $0x64, s23;
	s7 =	sadd.s32 s4, s0  }
0x14: {  	s0 =	simm.s32 $0x3E8;
	s23 =	simm.s32 $0x3;
	[dreg:$0x4] =	wrdreg s2  }
.LBB2_4:
0x15: {  	s2 =	simm.s32 $0x5  }
0x16: {  	_ =	swait.ge [sflag:s2], $0xC800  }
0x17: {  	[sflag:s2] =	ssyncset.done $0x0  }
0x18: {  	s4 =	simm.s32 $0x6;
	[sflag:s2] =	ssyncadd.s32 $0xFFFF3800  }
0x19: {  	_ =	swait.ge [sflag:s4], $0xC800  }
0x1a: {  	s5 =	rddreg [dreg:$0x7]  }
0x1b: {  	s9 =	rddreg [dreg:$0x5];
	s5 =	sadd.s32 $0x1, s5  }
0x1c: {  	p0 =	sne.s32 s5, s9  }
.Ltmp1:
0x1d: {  	_ = 	snop;
	(pc) =	sbr.rel @!p0 .LBB2_5-.Ltmp1, $3  }
0x1e: {  	_ =	sdelay $0x1  }
0x1f: {  	[sflag:s4] =	ssyncset.done $0x0  }
0x20: {  	[sflag:s4] =	ssyncadd.s32 $0xFFFF3800  }
.LBB2_1:
0x21: {  	[dreg:$0x7] =	wrdreg s5  }
0x22: {  	s2 =	simm.s32 $0x0;
	s4 =	rddreg [dreg:$0x3];
	s9 =	simm.s32 $0x1  }
0x23: {  	[tilespmem:s2], [sflag:$0x1] =	stream.linear.gather [hbm4b:s4+s2], $0x320, $0x38;
	[tilespmem:$0x19640] =	vst v63  }
0x24: {  	_ =	swait.ge [sflag:s9], $0x320  }
0x25: {  	[sflag:s9] =	ssyncset.done $0x0  }
0x26: {  	s5 =	simm.s32 $0x640;
	[sflag:s9] =	ssyncadd.s32 $0xFFFFFCE0  }
0x27: {  	[tilespmem:s5], [sflag:$0x3] =	stream.indirect.gather [hbm4b:s3+s10], $0x40, s2, s10, $0xb8;
	[tilespmem:$0x19640] =	vst v63  }
0x28: {  	s6 =	simm.s32 $0x2640  }
0x29: {  	[tilespmem:s6], [sflag:$0x3] =	stream.indirect.gather [hbm4b:s3+s12], $0x40, s10, s12, $0xb8;
	[tilespmem:$0x19640] =	vst v63  }
0x2a: {  	s8 =	simm.s32 $0xC8;
	s9 =	simm.s32 $0x3840  }
0x2b: {  	[tilespmem:s9], [sflag:$0x3] =	stream.indirect.gather [hbm4b:s3+s10], $0x40, s8, s10, $0xb8;
	[tilespmem:$0x19640] =	vst v63  }
0x2c: {  	s5 =	simm.s32 $0x148;
	s6 =	simm.s32 $0x5840  }
0x2d: {  	[tilespmem:s6], [sflag:$0x3] =	stream.indirect.gather [hbm4b:s3+s12], $0x40, s5, s12, $0xb8;
	[tilespmem:$0x19640] =	vst v63  }
0x2e: {  	s8 =	simm.s32 $0x190;
	s9 =	simm.s32 $0x6A40  }
0x2f: {  	[tilespmem:s9], [sflag:$0x3] =	stream.indirect.gather [hbm4b:s3+s10], $0x40, s8, s10, $0xb8;
	[tilespmem:$0x19640] =	vst v63  }
0x30: {  	s5 =	simm.s32 $0x210;
	s6 =	simm.s32 $0x8A40  }
0x31: {  	[tilespmem:s6], [sflag:$0x3] =	stream.indirect.gather [hbm4b:s3+s12], $0x40, s5, s12, $0xb8;
	[tilespmem:$0x19640] =	vst v63  }
0x32: {  	s8 =	simm.s32 $0x258;
	s9 =	simm.s32 $0x9C40  }
0x33: {  	[tilespmem:s9], [sflag:$0x3] =	stream.indirect.gather [hbm4b:s3+s10], $0x40, s8, s10, $0xb8;
	[tilespmem:$0x19640] =	vst v63  }
0x34: {  	s6 =	simm.s32 $0x2D8;
	s8 =	simm.s32 $0xBC40  }
0x35: {  	[tilespmem:s8], [sflag:$0x3] =	stream.indirect.gather [hbm4b:s3+s12], $0x40, s6, s12, $0xb8;
	[tilespmem:$0x19640] =	vst v63  }
0x36: {  	s9 =	rddreg [dreg:$0x4]  }
0x37: {  	[tilespmem:s26], [sflag:$0x2] =	stream.linear.gather [hbm4b:s9+s2], $0x320, $0x38;
	[tilespmem:$0x19640] =	vst v63  }
0x38: {  	s8 =	rddreg [dreg:$0x6];
	s9 =	simm.s32 $0x0  }
.LBB2_2:
0x39: {  	_ =	swait.ge [sflag:s28], $0x320  }
0x3a: {  	p0 =	seq.s32 s9, $0x0;
	[sflag:s28] =	ssyncset.done $0x0  }
0x3b: {  	s5 =	simm.s32 @!p0 $0x6;
	[sflag:s28] =	ssyncadd.s32 $0xFFFFFCE0  }
0x3c: {  	_ =	swait.ge @!p0 [sflag:s5], $0xC800  }
0x3d: {  	[sflag:s5] =	ssyncset.done @!p0 $0x0  }
0x3e: {  	[sflag:s5] =	ssyncadd.s32 @!p0 $0xFFFF3800  }
0x3f: {  	[tilespmem:s29], [sflag:$0x4] =	stream.indirect.gather [hbm4b:s3+s10], $0x40, s26, s10, $0xb8;
	[tilespmem:$0x19640] =	vst v63  }
0x40: {  	_ = 	snop  }
0x41: {  	[tilespmem:s31], [sflag:$0x4] =	stream.indirect.gather [hbm4b:s3+s12], $0x40, s30, s12, $0xb8;
	[tilespmem:$0x19640] =	vst v63  }
0x42: {  	_ = 	snop  }
0x43: {  	[tilespmem:s1], [sflag:$0x4] =	stream.indirect.gather [hbm4b:s3+s10], $0x40, s0, s10, $0xb8;
	[tilespmem:$0x19640] =	vst v63  }
0x44: {  	_ = 	snop  }
0x45: {  	[tilespmem:s14], [sflag:$0x4] =	stream.indirect.gather [hbm4b:s3+s12], $0x40, s13, s12, $0xb8;
	[tilespmem:$0x19640] =	vst v63  }
0x46: {  	_ = 	snop  }
0x47: {  	[tilespmem:s16], [sflag:$0x4] =	stream.indirect.gather [hbm4b:s3+s10], $0x40, s15, s10, $0xb8;
	[tilespmem:$0x19640] =	vst v63  }
0x48: {  	_ = 	snop  }
0x49: {  	[tilespmem:s18], [sflag:$0x4] =	stream.indirect.gather [hbm4b:s3+s12], $0x40, s17, s12, $0xb8;
	[tilespmem:$0x19640] =	vst v63  }
0x4a: {  	_ = 	snop  }
0x4b: {  	[tilespmem:s20], [sflag:$0x4] =	stream.indirect.gather [hbm4b:s3+s10], $0x40, s19, s10, $0xb8;
	[tilespmem:$0x19640] =	vst v63  }
0x4c: {  	_ = 	snop  }
0x4d: {  	[tilespmem:s22], [sflag:$0x4] =	stream.indirect.gather [hbm4b:s3+s12], $0x40, s21, s12, $0xb8;
	[tilespmem:$0x19640] =	vst v63  }
0x4e: {  	_ =	swait.ge [sflag:s23], $0x2000  }
0x4f: {  	[sflag:s23] =	ssyncset.done $0x0  }
0x50: {  	[sflag:s23] =	ssyncadd.s32 $0xFFFFE000  }
0x51: {  	_ =	swait.ge [sflag:s23], $0x1200  }
0x52: {  	[sflag:s23] =	ssyncset.done $0x0  }
0x53: {  	[sflag:s23] =	ssyncadd.s32 $0xFFFFEE00  }
0x54: {  	_ =	swait.ge [sflag:s23], $0x2000  }
0x55: {  	[sflag:s23] =	ssyncset.done $0x0  }
0x56: {  	[sflag:s23] =	ssyncadd.s32 $0xFFFFE000  }
0x57: {  	_ =	swait.ge [sflag:s23], $0x1200  }
0x58: {  	[sflag:s23] =	ssyncset.done $0x0  }
0x59: {  	[sflag:s23] =	ssyncadd.s32 $0xFFFFEE00  }
0x5a: {  	_ =	swait.ge [sflag:s23], $0x2000  }
0x5b: {  	[sflag:s23] =	ssyncset.done $0x0  }
0x5c: {  	[sflag:s23] =	ssyncadd.s32 $0xFFFFE000  }
0x5d: {  	_ =	swait.ge [sflag:s23], $0x1200  }
0x5e: {  	[sflag:s23] =	ssyncset.done $0x0  }
0x5f: {  	[sflag:s23] =	ssyncadd.s32 $0xFFFFEE00  }
0x60: {  	_ =	swait.ge [sflag:s23], $0x2000  }
0x61: {  	[sflag:s23] =	ssyncset.done $0x0  }
0x62: {  	[sflag:s23] =	ssyncadd.s32 $0xFFFFE000  }
0x63: {  	_ =	swait.ge [sflag:s23], $0x1200  }
0x64: {  	p0 =	seq.s32 s9, $0xBB8;
	[sflag:s23] =	ssyncset.done $0x0  }
0x65: {  	s2 =	simm.s32 $0x640;
	s5 =	sadd.s32 @!p0 s9, s7;
	[sflag:s23] =	ssyncadd.s32 $0xFFFFEE00  }
0x66: {  	[hbm4b:s8+s24] =	stream.strided.scatter [tilespmem:s2], [sflag:$0x5], $0xC800, s10, s24, $0x38;
	[tilespmem:$0x19640] =	vst v63  }
0x67: {  	s6 =	simm.s32 @!p0 $0x0;
	s5 =	sadd.s32 @!p0 $0xC8, s5  }
0x68: {  	[tilespmem:s6], [sflag:$0x1] =	stream.linear.gather @!p0 [hbm4b:s5+s6], $0x320, $0x38;
	[tilespmem:$0x19640] =	vst v63  }
0x69: {  	s5 =	simm.s32 @!p0 $0x1  }
0x6a: {  	_ =	swait.ge @!p0 [sflag:s5], $0x320  }
0x6b: {  	[sflag:s5] =	ssyncset.done @!p0 $0x0  }
0x6c: {  	[sflag:s5] =	ssyncadd.s32 @!p0 $0xFFFFFCE0;
	s5 =	simm.s32 @!p0 $0x5  }
0x6d: {  	_ =	swait.ge @!p0 [sflag:s5], $0xC800  }
0x6e: {  	[sflag:s5] =	ssyncset.done @!p0 $0x0  }
0x6f: {  	s4 =	simm.s32 @!p0 $0x640;
	[sflag:s5] =	ssyncadd.s32 @!p0 $0xFFFF3800;
	s5 =	simm.s32 @!p0 $0x80  }
0x70: {  	[tilespmem:s4], [sflag:$0x3] =	stream.indirect.gather @!p0 [hbm4b:s3+s5], $0x40, s6, s5, $0xb8;
	[tilespmem:$0x19640] =	vst v63  }
0x71: {  	s4 =	simm.s32 @!p0 $0x48;
	s6 =	simm.s32 @!p0 $0x2640  }
0x72: {  	[tilespmem:s6], [sflag:$0x3] =	stream.indirect.gather @!p0 [hbm4b:s3+s4], $0x40, s5, s4, $0xb8;
	[tilespmem:$0x19640] =	vst v63  }
0x73: {  	s2 =	simm.s32 @!p0 $0x3840;
	s6 =	simm.s32 @!p0 $0xC8  }
0x74: {  	[tilespmem:s2], [sflag:$0x3] =	stream.indirect.gather @!p0 [hbm4b:s3+s5], $0x40, s6, s5, $0xb8;
	[tilespmem:$0x19640] =	vst v63  }
0x75: {  	s2 =	simm.s32 @!p0 $0x148;
	s6 =	simm.s32 @!p0 $0x5840  }
0x76: {  	[tilespmem:s6], [sflag:$0x3] =	stream.indirect.gather @!p0 [hbm4b:s3+s4], $0x40, s2, s4, $0xb8;
	[tilespmem:$0x19640] =	vst v63  }
0x77: {  	s2 =	simm.s32 @!p0 $0x190;
	s6 =	simm.s32 @!p0 $0x6A40  }
0x78: {  	[tilespmem:s6], [sflag:$0x3] =	stream.indirect.gather @!p0 [hbm4b:s3+s5], $0x40, s2, s5, $0xb8;
	[tilespmem:$0x19640] =	vst v63  }
0x79: {  	s2 =	simm.s32 @!p0 $0x210;
	s6 =	simm.s32 @!p0 $0x8A40  }
0x7a: {  	[tilespmem:s6], [sflag:$0x3] =	stream.indirect.gather @!p0 [hbm4b:s3+s4], $0x40, s2, s4, $0xb8;
	[tilespmem:$0x19640] =	vst v63  }
0x7b: {  	s2 =	simm.s32 @!p0 $0x258;
	s6 =	simm.s32 @!p0 $0x9C40  }
0x7c: {  	[tilespmem:s6], [sflag:$0x3] =	stream.indirect.gather @!p0 [hbm4b:s3+s5], $0x40, s2, s5, $0xb8;
	[tilespmem:$0x19640] =	vst v63  }
0x7d: {  	s2 =	simm.s32 @!p0 $0x2D8;
	s5 =	simm.s32 @!p0 $0xBC40  }
0x7e: {  	[tilespmem:s5], [sflag:$0x3] =	stream.indirect.gather @!p0 [hbm4b:s3+s4], $0x40, s2, s4, $0xb8;
	[tilespmem:$0x19640] =	vst v63  }
0x7f: {  	_ =	swait.ge [sflag:s25], $0x2000  }
0x80: {  	[sflag:s25] =	ssyncset.done $0x0  }
0x81: {  	[sflag:s25] =	ssyncadd.s32 $0xFFFFE000  }
0x82: {  	_ =	swait.ge [sflag:s25], $0x1200  }
0x83: {  	[sflag:s25] =	ssyncset.done $0x0  }
0x84: {  	[sflag:s25] =	ssyncadd.s32 $0xFFFFEE00  }
0x85: {  	_ =	swait.ge [sflag:s25], $0x2000  }
0x86: {  	[sflag:s25] =	ssyncset.done $0x0  }
0x87: {  	[sflag:s25] =	ssyncadd.s32 $0xFFFFE000  }
0x88: {  	_ =	swait.ge [sflag:s25], $0x1200  }
0x89: {  	[sflag:s25] =	ssyncset.done $0x0  }
0x8a: {  	[sflag:s25] =	ssyncadd.s32 $0xFFFFEE00  }
0x8b: {  	_ =	swait.ge [sflag:s25], $0x2000  }
0x8c: {  	[sflag:s25] =	ssyncset.done $0x0  }
0x8d: {  	[sflag:s25] =	ssyncadd.s32 $0xFFFFE000  }
0x8e: {  	_ =	swait.ge [sflag:s25], $0x1200  }
0x8f: {  	[sflag:s25] =	ssyncset.done $0x0  }
0x90: {  	[sflag:s25] =	ssyncadd.s32 $0xFFFFEE00  }
0x91: {  	_ =	swait.ge [sflag:s25], $0x2000  }
0x92: {  	[sflag:s25] =	ssyncset.done $0x0  }
.Ltmp2:
0x93: {  	[sflag:s25] =	ssyncadd.s32 $0xFFFFE000;
	(pc) =	sbr.rel @p0 .LBB2_4-.Ltmp2, $4  }
0x94: {  	_ =	swait.ge [sflag:s25], $0x1200  }
0x95: {  	[sflag:s25] =	ssyncset.done $0x0  }
0x96: {  	s6 =	sadd.s32 $0x3200, s8;
	[sflag:s25] =	ssyncadd.s32 $0xFFFFEE00  }
0x97: {  	[hbm4b:s6+s24] =	stream.strided.scatter [tilespmem:s29], [sflag:$0x6], $0xC800, s10, s24, $0x38;
	[tilespmem:$0x19640] =	vst v63  }
.Ltmp3:
0x98: {  	(pc) =	sbr.rel .LBB2_2-.Ltmp3, $4  }
0x99: {  	_ = 	snop  }
0x9a: {  	s2 =	sadd.s32 s9, s7  }
0x9b: {  	s9 =	sadd.s32 $0xC8, s9;
	s8 =	sadd.s32 $0x6400, s8;
	s2 =	sadd.s32 $0x12C, s2  }
0x9c: {  	[tilespmem:s26], [sflag:$0x2] =	stream.linear.gather [hbm4b:s2+s11], $0x320, $0x38;
	[tilespmem:$0x19640] =	vst v63  }
.LBB2_5:
0x9d: {  	_ =	sfence.sel $0x180000  }
0x9e: {  	[bflag:$0x0] =	sbarrier.arrive $0xFFFF  }
0x9f: {  	_ =	strace $0x90000047  }
0xa0: {  	s0 =	stileid.u32;
	[bflag:$0x2] =	sbarrier.arrive $0xFFFF  }
0xa1: {  	p0 =	sne.s32 s0, $0x0;
	s0 =	rddreg [dreg:$0x2]  }
0xa2: {  	s0 =	sadd.s32 @!p0 $0x100000, s0  }
0xa3: {  	[sflag:s0] =	ssyncadd.tile.s32 @!p0 $0x1;
	_ =	shalt  }
.Lfunc_end2:
_tile_overlayer_lowered:
.L_overlay_start_2:
0xa4: {  	(tag) =	ssettag $0x2  }
0xa5: {  	s0 =	rddreg [dreg:$0x0];
	s2 =	stileid.u32  }
0xa6: {  	s1 =	rddreg [dreg:$0x1];
	p0 =	sne.s32 s2, $0x0  }
0xa7: {  	s3 =	rddreg [dreg:$0x2];
	[bflag:$0x3] =	sbarrier.arrive $0xFFFF;
	s2 =	simm.s32 @!p0 $0x1C07  }
0xa8: {  	[timem:s3], [sflag:s2] =	dma.local @!p0 [hbm:s0], s1  }
0xa9: {  	s0 =	simm.s32 @!p0 $0x7  }
0xaa: {  	_ =	swait.ge @!p0 [sflag:s0], s1  }
0xab: {  	s1 =	ssub.s32 @!p0 $0x0, s1;
	[sflag:s0] =	ssyncset.done @!p0 $0x0  }
0xac: {  	[sflag:s0] =	ssyncadd.s32 @!p0 s1  }
0xad: {  	[bflag:$0x3] =	sbarrier.arrive $0xFFFF  }
0xae: {  	_ =	shalt  }

// kernel: sparse-core-data-format-call.cloned.1.call-start
scs
called_computation_lowered:
.L_overlay_start_0:
0x0: {  	s2 =	sld [smem:$0x3FD9]  }
0x1: {  	s3 =	sld [smem:$0x3FFE];
	_ =	sdelay $0x1  }
0x2: {  	s1 =	srdreg.scid  }
0x3: {  	s0 =	sand.u32 $0x1, s1  }
0x4: {  	s18 =	sshll.u32 s0, $0xA;
	s2 =	sadd.s32 s3, s2  }
0x5: {  	s2 =	sadd.s32 s2, s18  }
0x6: {  	[smem:$0x3FC6] =	sst s2  }
0x7: {  	_ = 	snop  }
0x8: {  	s2 =	sld [smem:$0x3FD0];
	(tm) =	ssettm $0x1  }
0x9: {  	s19 =	sld [smem:$0x3FFB];
	_ =	sdelay $0x3  }
0xa: {  	_ =	strace s19  }
0xb: {  	s3 =	sld [smem:$0x3FFC];
	_ =	sdelay $0x3  }
0xc: {  	_ =	strace s3  }
0xd: {  	s3 =	sld [smem:$0x3FFD];
	_ =	sdelay $0x3  }
0xe: {  	_ =	strace s3  }
0xf: {  	_ =	strace $0x8FFFFFFF  }
0x10: {  	s20 =	sld [smem:$0x3FDB];
	_ =	sdelay $0x1  }
0x11: {  	s4 =	simm.s32 $_scs_section_size  }
0x12: {  	s5 =	simm.s32 $_size__tile_overlayer_lowered;
	s6 =	simm.s32 $_tile_overlayer_lowered  }
0x13: {  	s23 =	simm.s32 $0x1BFF;
	s22 =	sshll.u32 s6, $0x1;
	s3 =	sadd.s32 s4, s20  }
0x14: {  	s7 =	simm.s32 $0x0;
	s21 =	sshll.u32 s5, $0x1;
	s5 =	sadd.s32 s22, s3  }
0x15: {  	[timem:s7], [sflag:s23] =	dma.local [hbm:s5], s21  }
0x16: {  	_ =	swait.ge [sflag:s23], s21  }
0x17: {  	s4 =	ssub.s32 $0x0, s21;
	[sflag:s23] =	ssyncset.done $0x0  }
0x18: {  	[sflag:s23] =	ssyncadd.s32 s4;
	_ =	sdelay $0x1  }
0x19: {  	s24 =	simm.s32 $0x1B8B  }
0x1a: {  	_ =	swait.ge [sflag:s24], $0x1  }
0x1b: {  	[sflag:s24] =	ssyncset.done $0x0  }
0x1c: {  	s26 =	simm.s32 $0x1B8E;
	s25 =	sld [smem:$0x3FFE];
	[sflag:s24] =	ssyncadd.s32 $0xFFFFFFFF  }
0x1d: {  	s27 =	simm.s32 $execute0_lowered;
	[smem:$0x3FD2] =	sst s26  }
0x1e: {  	s5 =	sshll.u32 s27, $0x1;
	_ =	strace $0x80000049;
	[dreg:$0x1] =	wrdreg $0xFFFFFFFF  }
0x1f: {  	s28 =	simm.s32 $_size_execute0_lowered;
	s3 =	sadd.s32 s3, s5;
	[dreg:$0x0] =	wrdreg $0x0  }
0x20: {  	s5 =	sshll.u32 s28, $0x1;
	[dreg:$0x2] =	wrdreg s3  }
0x21: {  	[dreg:$0x3] =	wrdreg s5  }
0x22: {  	[dreg:$0x4] =	wrdreg $0xC0  }
0x23: {  	_ =	task [dreg:s7], $0x5FFFF  }
0x24: {  	[dreg:$0x1] =	wrdreg $0xFFFFFFFF  }
0x25: {  	[dreg:$0x0] =	wrdreg $0x60  }
0x26: {  	[dreg:$0x2] =	wrdreg s25  }
0x27: {  	[dreg:$0x3] =	wrdreg s2  }
0x28: {  	[dreg:$0x4] =	wrdreg $0x9  }
0x29: {  	_ =	task.clear_ibuf [dreg:s7], $0x5FFFF;
	_ =	strace $0x90000049  }
0x2a: {  	s29 =	simm.s32 $0x9;
	_ =	strace $0x8000004B  }
0x2b: {  	_ =	swait.ge [sflag:s29], $0x1  }
0x2c: {  	[sflag:s29] =	ssyncadd.s32 $0xFFFFFFFF  }
0x2d: {  	_ =	strace $0x9000004B  }
0x2e: {  	_ =	sfence  }
0x2f: {  	s30 =	sld [smem:$0x0];
	_ =	sdelay $0x2  }
0x30: {  	s31 =	sshll.u32 s1, $0xD;
	s1 =	sshrl.u32 s1, $0x2  }
0x31: {  	s3 =	sand.u32 $0x4000, s31;
	s1 =	sadd.s32 s1, s30  }
0x32: {  	s0 =	sor.u32 s3, s0;
	s1 =	sshll.u32 s1, $0x11  }
0x33: {  	s0 =	sor.u32 s1, s0  }
0x34: {  	s0 =	sadd.s32 $0x8F2B, s0  }
0x35: {  	[sflag:s0] =	ssyncadd.remote.s32 $0x1  }
0x36: {  	_ =	sfence.sel $0xFFFF  }
0x37: {  	[dreg:$0x0] =	wrdreg $0xFFFFFFFF;
	(pc) =	sbr.abs _section_cstart, $3  }
0x38: {  	[dreg:$0x1] =	wrdreg $0xFFFFFFFF  }
0x39: {  	_ =	task.clear_ibuf [dreg:s7], $0x2FFFF;
	_ =	strace $0x9FFFFFFF  }
0x3a: {  	(tm) =	ssettm $0x7FFFFFFF  }
0x3b: {  	_ =	shalt  }
tec
execute0_lowered:
.L_overlay_start_1:
0x0: {  	(tag) =	ssettag $0x1  }
0x1: {  	s0 =	srdreg.scid  }
0x2: {  	s1 =	sshll.u32 s0, $0x4  }
0x3: {  	s0 =	stileid.u32;
	s1 =	sand.u32 $0x10, s1  }
0x4: {  	s1 =	sor.u32 s0, s1  }
0x5: {  	s6 =	rddreg [dreg:$0x0];
	s4 =	simm.s32 $0x1;
	s2 =	sshll.u32 s1, $0x7  }
0x6: {  	s7 =	simm.s32 $0x2;
	s12 =	simm.s32 $0x0;
	s1 =	ssub.s32 $0x1000, s2  }
0x7: {  	s8 =	simm.s32 $0x8000;
	s13 =	simm.s32 $0x0;
	s3 =	sand.u32 $0xF80, s1  }
0x8: {  	s9 =	simm.s32 $0x0;
	s5 =	sshrl.u32 s1, $0xC;
	p0 =	sne.s32 s3, $0x0  }
.Ltmp0:
0x9: {  	s1 =	rddreg [dreg:$0x2];
	s4 =	simm.s32 @!p0 $0x0;
	(pc) =	sbr.rel .LBB1_1-.Ltmp0, $4  }
0xa: {  	s11 =	simm.s32 $0x0;
	s3 =	rddreg [dreg:$0x1];
	s5 =	sadd.s32 s4, s5  }
0xb: {  	_ =	strace $0x8000004A;
	s4 =	simm.s32 $0x1;
	s5 =	smul.u32 $0xC8, s5  }
0xc: {  	s6 =	sadd.s32 $0xA00, s6;
	s10 =	smov.u32 s2;
	[sflag:s4] =	ssyncpa.u1 $0x0  }
0xd: {  	p0 =	por $0x0, $0x0;
	[sflag:s7] =	ssyncpa.u1 $0x0;
	s7 =	sor.u32 $0x1, s5  }
.LBB1_4:
0xe: {  	s16 =	sshll.u32 s13, $0x3;
	s17 =	sand.u32 $0x78, s13  }
0xf: {  	s30 =	sand.u32 $0x7E00, s13;
	s12 =	sshll.u32 s12, $0xF;
	s16 =	sand.u32 $0xC00, s16  }
0x10: {  	[tilespmem:s15+$0x810 ss:$0x81] =	vst.msk $0xffff, v2;
	s31 =	sand.u32 $0x7, s13;
	s16 =	sor.u32 s17, s16;
	s17 =	sadd.s32 s3, s30  }
0x11: {  	[tilespmem:s15+$0x1020 ss:$0x81] =	vst.msk $0xffff, v0;
	s13 =	sshll.u32 s31, $0x12;
	s12 =	sadd.s32 s12, s17;
	s16 =	sshrl.u32 s16, $0x3  }
0x12: {  	[tilespmem:s15+$0x0 ss:$0x81] =	vst.msk $0xffff, v1;
	s13 =	sor.u32 $0x400, s13;
	s12 =	sadd.s32 s16, s12  }
0x13: {  	[hbm4b:s12+s13] =	stream.strided.scatter [tilespmem:s14], [sflag:$0x2], $0x2000, s8, s13, $0x20;
	[tilespmem:$0x8080] =	vst v63  }
.LBB1_5:
0x14: {  	s14 =	sadd.s32 $0x1, s9  }
0x15: {  	s12 =	sadd.s32 $0x1000, s10;
	s16 =	smov.u32 s10;
	p2 =	sgt.s32 s14, $0xC7  }
0x16: {  	s16 =	smov.u32 @p2 s12  }
0x17: {  	s14 =	simm.s32 @p2 $0x0;
	p2 =	sgt.s32 s16, $0xFFF  }
0x18: {  	s16 =	smov.u32 @p2 s2;
	p2 =	sne.s32 s11, s7  }
.Ltmp1:
0x19: {  	p1 =	slt.u32 s11, $0x2;
	(pc) =	sbr.rel @!p2 .LBB1_6-.Ltmp1, $4  }
0x1a: {  	s15 =	simm.s32 @!p1 $0x2  }
0x1b: {  	s13 =	smov.u32 s10;
	p0 =	por !p0, !p0;
	_ =	swait.ge @!p1 [sflag:s15], $0x2000  }
0x1c: {  	s12 =	smov.u32 s9;
	[sflag:s15] =	ssyncset.done @!p1 $0x0;
	s9 =	smov.u32 s14  }
0x1d: {  	s11 =	sadd.s32 $0x1, s11;
	[sflag:s15] =	ssyncadd.s32 @!p1 $0xFFFFE000;
	s10 =	smov.u32 s16  }
.LBB1_1:
0x1e: {  	p1 =	sge.u32 s11, s5  }
0x1f: {  	s14 =	sand.u32 @!p1 $0x1FFFFFF, s9  }
0x20: {  	s15 =	smulhi.u32 @!p1 $0x147AE15, s14;
	_ =	sdelay $0x1  }
0x21: {  	s15 =	smul.u32 @!p1 $0xC8, s15  }
0x22: {  	s16 =	sxor.u32 @!p1 $0xFFFFFFFF, s11;
	s17 =	smul.u32 @!p1 $0xC80, s10  }
0x23: {  	s31 =	sadd.s32 $0xFFFFFFFF, s11;
	s16 =	sshll.u32 @!p1 s16, $0xD;
	s14 =	ssub.s32 @!p1 s14, s15  }
0x24: {  	s15 =	sand.u32 @!p1 $0x2000, s16;
	s16 =	sadd.s32 @!p1 s6, s17;
	s14 =	sshll.u32 @!p1 s14, $0x4  }
0x25: {  	s17 =	simm.s32 @!p1 $0x6400;
	s14 =	sadd.s32 @!p1 s14, s16;
	s16 =	simm.s32 @!p1 $0x40  }
0x26: {  	[tilespmem:s15], [sflag:$0x1] =	stream.strided.gather @!p1 [hbm4b:s14+s16], $0x2000, s17, s16, $0x38;
	[tilespmem:$0x8080] =	vst v63  }
0x27: {  	p1 =	sge.u32 s31, s5  }
.Ltmp2:
0x28: {  	_ = 	snop;
	(pc) =	sbr.rel @p1 .LBB1_5-.Ltmp2, $1  }
0x29: {  	_ =	sdelay $0x3  }
0x2a: {  	s14 =	simm.s32 $0x1  }
0x2b: {  	_ =	swait.ge [sflag:s4], $0x2000;
	s14 =	simm.s32 @!p0 $0x0  }
0x2c: {  	[sflag:s4] =	ssyncset.done $0x0;
	s15 =	sshll.u32 s14, $0xD  }
0x2d: {  	[sflag:s4] =	ssyncadd.s32 $0xFFFFE000;
	s18 =	sor.u32 $0x20, s15  }
0x2e: {  	s14 =	smul.u32 $0x8100, s14;
	v3 =	vld [tilespmem:s18+$0x10]  }
0x2f: {  	s30 =	sand.u32 $0x1, s11;
	v2 =	vld [tilespmem:s18+$0xFFFFFFF0]  }
0x30: {  	s15 =	smul.u32 $0x8100, s30;
	s14 =	sshrl.u32 s14, $0x2;
	v0 =	vld [tilespmem:s18+$0x0]  }
0x31: {  	v1 =	vld [tilespmem:s18+$0xFFFFFFE0];
	s16 =	sor.u32 $0x4000, s14  }
0x32: {  	s31 =	sshrl.u32 s15, $0x2;
	s15 =	sadd.s32 $0x0, s16  }
0x33: {  	s17 =	simm.s32 $0x4;
	s18 =	sadd.s32 $0x40, s18;
	s14 =	sor.u32 $0x4000, s31;
	[tilespmem:s15+$0x1830 ss:$0x81] =	vst.msk $0xffff, v3  }
.LBB1_3:
0x34: {  	v3 =	vld [tilespmem:s18+$0x10];
	p1 =	sne.s32 s17, $0x1FC;
	[tilespmem:s15+$0x810 ss:$0x81] =	vst.msk $0xffff, v2;
	s19 =	smov.u32 s17;
	s17 =	sadd.s32 $0x4, s17  }
.Ltmp3:
0x35: {  	v2 =	vld [tilespmem:s18+$0xFFFFFFF0];
	[tilespmem:s15+$0x1020 ss:$0x81] =	vst.msk $0xffff, v0;
	(pc) =	sbr.rel @p1 .LBB1_3-.Ltmp3, $4  }
0x36: {  	v0 =	vld [tilespmem:s18+$0x0];
	[tilespmem:s15+$0x0 ss:$0x81] =	vst.msk $0xffff, v1  }
0x37: {  	s15 =	sshra.s32 s19, $0x2;
	v1 =	vld [tilespmem:s18+$0xFFFFFFE0]  }
0x38: {  	s15 =	sadd.s32 s15, s16  }
0x39: {  	s18 =	sadd.s32 $0x40, s18;
	[tilespmem:s15+$0x1830 ss:$0x81] =	vst.msk $0xffff, v3  }
.Ltmp4:
0x3a: {  	_ = 	snop;
	(pc) =	sbr.rel .LBB1_4-.Ltmp4, $1  }
0x3b: {  	_ =	sdelay $0x3  }
.LBB1_6:
0x3c: {  	_ =	sfence.sel $0x180000  }
0x3d: {  	s2 =	simm.s32 $0x1;
	[bflag:$0x0] =	sbarrier.arrive $0xFFFF  }
0x3e: {  	s31 =	simm.s32 $0x2;
	[sflag:s2] =	ssyncpa.u1 $0x1  }
0x3f: {  	[sflag:s31] =	ssyncpa.u1 $0x1  }
0x40: {  	p0 =	sne.s32 s0, $0x0;
	_ =	strace $0x9000004A  }
0x41: {  	s0 =	sadd.s32 @!p0 $0x100000, s1;
	[bflag:$0x2] =	sbarrier.arrive $0xFFFF  }
0x42: {  	[sflag:s0] =	ssyncadd.tile.s32 @!p0 $0x1;
	_ =	shalt  }
.Lfunc_end1:
_tile_overlayer_lowered:
.L_overlay_start_2:
0x43: {  	(tag) =	ssettag $0x2  }
0x44: {  	s0 =	rddreg [dreg:$0x0];
	s2 =	stileid.u32  }
0x45: {  	s1 =	rddreg [dreg:$0x1];
	p0 =	sne.s32 s2, $0x0  }
0x46: {  	s3 =	rddreg [dreg:$0x2];
	[bflag:$0x3] =	sbarrier.arrive $0xFFFF;
	s2 =	simm.s32 @!p0 $0x1C01  }
0x47: {  	[timem:s3], [sflag:s2] =	dma.local @!p0 [hbm:s0], s1  }
0x48: {  	s0 =	simm.s32 @!p0 $0x1  }
0x49: {  	_ =	swait.ge @!p0 [sflag:s0], s1  }
0x4a: {  	s1 =	ssub.s32 @!p0 $0x0, s1;
	[sflag:s0] =	ssyncset.done @!p0 $0x0  }
0x4b: {  	[sflag:s0] =	ssyncadd.s32 @!p0 s1  }
0x4c: {  	[bflag:$0x3] =	sbarrier.arrive $0xFFFF  }
0x4d: {  	_ =	shalt  }

</sc_bundles>
